<compile_context>
chip_gen: v7x
topology: tpu7x:2x2x1
jax: 0.10.2.dev20260603
libtpu: 0.0.44.dev20260713+nightly
codegen_flags: <defaults>
</compile_context>

<pallas_src>
import functools

import jax
import jax.numpy as jnp
from jax import lax
from jax.experimental import pallas as pl
from jax.experimental.pallas import tpu as pltpu
from jax.experimental.pallas import tpu_sc as plsc

_NUM_CLASSES = 7
_DIM = 512
_NC = 2
_NS = 16
_NW = _NC * _NS
_LANES = 16


@functools.cache
def _make_lookup(B):
    b_per_w = B // _NW
    mesh = plsc.VectorSubcoreMesh(core_axis_name="c", subcore_axis_name="s")

    @functools.partial(
        pl.kernel,
        out_type=jax.ShapeDtypeStruct((B, _DIM), jnp.float32),
        mesh=mesh,
        compiler_params=pltpu.CompilerParams(needs_layout_passes=False),
        scratch_types=[
            pltpu.VMEM((b_per_w,), jnp.int32),
            pltpu.VMEM((_NUM_CLASSES, _DIM), jnp.float32),
            pltpu.SemaphoreType.DMA,
            pltpu.SemaphoreType.DMA,
        ],
    )
    def lookup_kernel(table_hbm, idx_hbm, out_hbm, idx_v, tab_v, sem_in,
                      sem_out):
        wid = lax.axis_index("s") * _NC + lax.axis_index("c")
        base = wid * b_per_w
        cp_idx = pltpu.async_copy(idx_hbm.at[pl.ds(base, b_per_w)], idx_v,
                                  sem_in)
        tab_cps = []
        for k in range(_NUM_CLASSES):
            r = lax.rem(wid + k, _NUM_CLASSES)
            tab_cps.append(
                pltpu.async_copy(table_hbm.at[r], tab_v.at[r], sem_in))
        cp_idx.wait()
        for h in tab_cps:
            h.wait()

        scale = jnp.float32(1.0 / _NUM_CLASSES)

        def scale_row(r, carry):
            for c in range(_DIM // _LANES):
                sl = pl.ds(c * _LANES, _LANES)
                tab_v[r, sl] = tab_v[r, sl] * scale
            return carry

        lax.fori_loop(0, _NUM_CLASSES, scale_row, 0)

        lanes = lax.broadcasted_iota(jnp.int32, (_LANES,), 0)

        def issue_row(j, carry):
            chunk = idx_v[pl.ds((j // _LANES) * _LANES, _LANES)]
            i = jnp.sum(jnp.where(lanes == lax.rem(j, _LANES), chunk, 0))
            pltpu.async_copy(tab_v.at[i], out_hbm.at[base + j], sem_out)
            return carry

        lax.fori_loop(0, b_per_w, issue_row, 0, unroll=4)

        pltpu.make_async_copy(out_hbm.at[pl.ds(base, b_per_w)],
                              out_hbm.at[pl.ds(base, b_per_w)],
                              sem_out).wait()

    return lookup_kernel


def kernel(x, de_class, clip_prompt):
    B = x.shape[0]
    idx = de_class.astype(jnp.int32)
    return _make_lookup(B)(clip_prompt, idx)

# --- scband reference (transcript-rebuilt; emitter-appended) ---
"""Pipeline reference for scband-text-prompt-78778290144047 (READ-ONLY COPY).

The authoritative reference and input builder live on the scoring server;
editing this copy changes nothing except your own understanding.
"""

import jax, jax.numpy as jnp
import numpy as np

TASK_CLASSES = 7
CLIP_DIM = 512

def setup_inputs(seed: int = 0) -> dict:
    key = jax.random.key(seed)
    k1, k2, k3 = jax.random.split(key, 3)
    x = jax.random.normal(k1, (1024, 31, 32, 32), dtype=jnp.float32)
    de_class = jax.random.randint(k2, (1024,), 0, TASK_CLASSES, dtype=jnp.int64 if jax.config.read('jax_enable_x64') else jnp.int32)
    # Frozen CLIP text features for the 7 task prompts (ViT-B/32 text encoder -> 512-d).
    clip_prompt = jax.random.normal(k3, (TASK_CLASSES, CLIP_DIM), dtype=jnp.float32)
    return {"x": x, "de_class": de_class, "clip_prompt": clip_prompt}

def reference(x, de_class, clip_prompt):
    B = x.shape[0]
    # de_class is 1-D here: prompt_weights = one_hot(de_class, task_classes)
    prompt_weights = jax.nn.one_hot(de_class, TASK_CLASSES, dtype=jnp.float32)  # [B, 7]
    cp = jax.lax.stop_gradient(clip_prompt)  # clip_prompt.detach()
    # [B,7,1] * [B,7,512] -> mean over dim=1 -> [B,512]
    cp_rep = jnp.broadcast_to(cp[None, :, :], (B, TASK_CLASSES, CLIP_DIM))
    weighted = prompt_weights[:, :, None] * cp_rep
    out = jnp.mean(weighted, axis=1)
    return out

if __name__ == "__main__":
    import jax
    _d = setup_inputs()
    print(jax.jit(kernel)(*tuple(_d.values())))

</pallas_src>

<mosaic_0001>
#map = affine_map<(d0, d1) -> (0, 0)>
#map1 = affine_map<(d0, d1) -> (0)>
module attributes {stable_mosaic.version = 14 : i64} {
  func.func @lookup_kernel(%arg0: i32, %arg1: i32, %arg2: memref<7x512xf32, #tpu.memory_space<hbm>>, %arg3: memref<1024xi32, #tpu.memory_space<hbm>>, %arg4: memref<1024x512xf32, #tpu.memory_space<hbm>>, %arg5: memref<32xi32, #tpu.memory_space<vmem>>, %arg6: memref<7x512xf32, #tpu.memory_space<vmem>>, %arg7: memref<!tpu.dma_semaphore, #tpu.memory_space<semaphore_mem>>, %arg8: memref<!tpu.dma_semaphore, #tpu.memory_space<semaphore_mem>>) attributes {dimension_semantics = [#tpu.dimension_semantics<core_parallel>, #tpu.dimension_semantics<subcore_parallel>], iteration_bounds = array<i64: 2, 16>, scalar_prefetch = 0 : i64, scratch_operands = 4 : i64, tpu.core_type = #tpu.core_type<sc_vector_subcore>, window_params = [{transform_indices = #map}, {transform_indices = #map1}, {transform_indices = #map}]} {
    %mul3A = arith.constant 2 : i32
    %mul3A_0 = arith.muli %arg1, %mul3A : i32
    %add3A = arith.addi %mul3A_0, %arg0 : i32
    %mul3A_1 = arith.constant 32 : i32
    %mul3A_2 = arith.muli %add3A, %mul3A_1 : i32
    %dma_start3A = tpu.memref_slice %arg3[%mul3A_2] : memref<1024xi32, #tpu.memory_space<hbm>> -> memref<32xi32, #tpu.memory_space<hbm>>
    %dma_start3A_3 = tpu.memref_slice %arg3[%mul3A_2] : memref<1024xi32, #tpu.memory_space<hbm>> -> memref<32xi32, #tpu.memory_space<hbm>>
    tpu.enqueue_dma source(%dma_start3A_3 : memref<32xi32, #tpu.memory_space<hbm>>) target(%arg5 : memref<32xi32, #tpu.memory_space<vmem>>) target_semaphore(%arg7 : memref<!tpu.dma_semaphore, #tpu.memory_space<semaphore_mem>>)
    %add3A_4 = arith.constant 0 : i32
    %add3A_5 = arith.addi %add3A, %add3A_4 : i32
    %rem3A = arith.constant 7 : i32
    %rem3A_6 = arith.remsi %add3A_5, %rem3A : i32
    %dma_start3A_7 = arith.constant 0 : i32
    %dma_start3A_8 = tpu.memref_slice %arg6[%rem3A_6, %dma_start3A_7] : memref<7x512xf32, #tpu.memory_space<vmem>> -> memref<1x512xf32, #tpu.memory_space<vmem>>
    %dma_start3A_9 = tpu.memref_squeeze %dma_start3A_8 : memref<1x512xf32, #tpu.memory_space<vmem>> -> memref<512xf32, #tpu.memory_space<vmem>>
    %dma_start3A_10 = arith.constant 0 : i32
    %dma_start3A_11 = tpu.memref_slice %arg2[%rem3A_6, %dma_start3A_10] : memref<7x512xf32, #tpu.memory_space<hbm>> -> memref<1x512xf32, #tpu.memory_space<hbm>>
    %dma_start3A_12 = tpu.memref_squeeze %dma_start3A_11 : memref<1x512xf32, #tpu.memory_space<hbm>> -> memref<512xf32, #tpu.memory_space<hbm>>
    %dma_start3A_13 = arith.constant 0 : i32
    %dma_start3A_14 = tpu.memref_slice %arg6[%rem3A_6, %dma_start3A_13] : memref<7x512xf32, #tpu.memory_space<vmem>> -> memref<1x512xf32, #tpu.memory_space<vmem>>
    %dma_start3A_15 = tpu.memref_squeeze %dma_start3A_14 : memref<1x512xf32, #tpu.memory_space<vmem>> -> memref<512xf32, #tpu.memory_space<vmem>>
    %dma_start3A_16 = arith.constant 0 : i32
    %dma_start3A_17 = tpu.memref_slice %arg2[%rem3A_6, %dma_start3A_16] : memref<7x512xf32, #tpu.memory_space<hbm>> -> memref<1x512xf32, #tpu.memory_space<hbm>>
    %dma_start3A_18 = tpu.memref_squeeze %dma_start3A_17 : memref<1x512xf32, #tpu.memory_space<hbm>> -> memref<512xf32, #tpu.memory_space<hbm>>
    tpu.enqueue_dma source(%dma_start3A_18 : memref<512xf32, #tpu.memory_space<hbm>>) target(%dma_start3A_15 : memref<512xf32, #tpu.memory_space<vmem>>) target_semaphore(%arg7 : memref<!tpu.dma_semaphore, #tpu.memory_space<semaphore_mem>>)
    %add3A_19 = arith.constant 1 : i32
    %add3A_20 = arith.addi %add3A, %add3A_19 : i32
    %rem3A_21 = arith.constant 7 : i32
    %rem3A_22 = arith.remsi %add3A_20, %rem3A_21 : i32
    %dma_start3A_23 = arith.constant 0 : i32
    %dma_start3A_24 = tpu.memref_slice %arg6[%rem3A_22, %dma_start3A_23] : memref<7x512xf32, #tpu.memory_space<vmem>> -> memref<1x512xf32, #tpu.memory_space<vmem>>
    %dma_start3A_25 = tpu.memref_squeeze %dma_start3A_24 : memref<1x512xf32, #tpu.memory_space<vmem>> -> memref<512xf32, #tpu.memory_space<vmem>>
    %dma_start3A_26 = arith.constant 0 : i32
    %dma_start3A_27 = tpu.memref_slice %arg2[%rem3A_22, %dma_start3A_26] : memref<7x512xf32, #tpu.memory_space<hbm>> -> memref<1x512xf32, #tpu.memory_space<hbm>>
    %dma_start3A_28 = tpu.memref_squeeze %dma_start3A_27 : memref<1x512xf32, #tpu.memory_space<hbm>> -> memref<512xf32, #tpu.memory_space<hbm>>
    %dma_start3A_29 = arith.constant 0 : i32
    %dma_start3A_30 = tpu.memref_slice %arg6[%rem3A_22, %dma_start3A_29] : memref<7x512xf32, #tpu.memory_space<vmem>> -> memref<1x512xf32, #tpu.memory_space<vmem>>
    %dma_start3A_31 = tpu.memref_squeeze %dma_start3A_30 : memref<1x512xf32, #tpu.memory_space<vmem>> -> memref<512xf32, #tpu.memory_space<vmem>>
    %dma_start3A_32 = arith.constant 0 : i32
    %dma_start3A_33 = tpu.memref_slice %arg2[%rem3A_22, %dma_start3A_32] : memref<7x512xf32, #tpu.memory_space<hbm>> -> memref<1x512xf32, #tpu.memory_space<hbm>>
    %dma_start3A_34 = tpu.memref_squeeze %dma_start3A_33 : memref<1x512xf32, #tpu.memory_space<hbm>> -> memref<512xf32, #tpu.memory_space<hbm>>
    tpu.enqueue_dma source(%dma_start3A_34 : memref<512xf32, #tpu.memory_space<hbm>>) target(%dma_start3A_31 : memref<512xf32, #tpu.memory_space<vmem>>) target_semaphore(%arg7 : memref<!tpu.dma_semaphore, #tpu.memory_space<semaphore_mem>>)
    %add3A_35 = arith.constant 2 : i32
    %add3A_36 = arith.addi %add3A, %add3A_35 : i32
    %rem3A_37 = arith.constant 7 : i32
    %rem3A_38 = arith.remsi %add3A_36, %rem3A_37 : i32
    %dma_start3A_39 = arith.constant 0 : i32
    %dma_start3A_40 = tpu.memref_slice %arg6[%rem3A_38, %dma_start3A_39] : memref<7x512xf32, #tpu.memory_space<vmem>> -> memref<1x512xf32, #tpu.memory_space<vmem>>
    %dma_start3A_41 = tpu.memref_squeeze %dma_start3A_40 : memref<1x512xf32, #tpu.memory_space<vmem>> -> memref<512xf32, #tpu.memory_space<vmem>>
    %dma_start3A_42 = arith.constant 0 : i32
    %dma_start3A_43 = tpu.memref_slice %arg2[%rem3A_38, %dma_start3A_42] : memref<7x512xf32, #tpu.memory_space<hbm>> -> memref<1x512xf32, #tpu.memory_space<hbm>>
    %dma_start3A_44 = tpu.memref_squeeze %dma_start3A_43 : memref<1x512xf32, #tpu.memory_space<hbm>> -> memref<512xf32, #tpu.memory_space<hbm>>
    %dma_start3A_45 = arith.constant 0 : i32
    %dma_start3A_46 = tpu.memref_slice %arg6[%rem3A_38, %dma_start3A_45] : memref<7x512xf32, #tpu.memory_space<vmem>> -> memref<1x512xf32, #tpu.memory_space<vmem>>
    %dma_start3A_47 = tpu.memref_squeeze %dma_start3A_46 : memref<1x512xf32, #tpu.memory_space<vmem>> -> memref<512xf32, #tpu.memory_space<vmem>>
    %dma_start3A_48 = arith.constant 0 : i32
    %dma_start3A_49 = tpu.memref_slice %arg2[%rem3A_38, %dma_start3A_48] : memref<7x512xf32, #tpu.memory_space<hbm>> -> memref<1x512xf32, #tpu.memory_space<hbm>>
    %dma_start3A_50 = tpu.memref_squeeze %dma_start3A_49 : memref<1x512xf32, #tpu.memory_space<hbm>> -> memref<512xf32, #tpu.memory_space<hbm>>
    tpu.enqueue_dma source(%dma_start3A_50 : memref<512xf32, #tpu.memory_space<hbm>>) target(%dma_start3A_47 : memref<512xf32, #tpu.memory_space<vmem>>) target_semaphore(%arg7 : memref<!tpu.dma_semaphore, #tpu.memory_space<semaphore_mem>>)
    %add3A_51 = arith.constant 3 : i32
    %add3A_52 = arith.addi %add3A, %add3A_51 : i32
    %rem3A_53 = arith.constant 7 : i32
    %rem3A_54 = arith.remsi %add3A_52, %rem3A_53 : i32
    %dma_start3A_55 = arith.constant 0 : i32
    %dma_start3A_56 = tpu.memref_slice %arg6[%rem3A_54, %dma_start3A_55] : memref<7x512xf32, #tpu.memory_space<vmem>> -> memref<1x512xf32, #tpu.memory_space<vmem>>
    %dma_start3A_57 = tpu.memref_squeeze %dma_start3A_56 : memref<1x512xf32, #tpu.memory_space<vmem>> -> memref<512xf32, #tpu.memory_space<vmem>>
    %dma_start3A_58 = arith.constant 0 : i32
    %dma_start3A_59 = tpu.memref_slice %arg2[%rem3A_54, %dma_start3A_58] : memref<7x512xf32, #tpu.memory_space<hbm>> -> memref<1x512xf32, #tpu.memory_space<hbm>>
    %dma_start3A_60 = tpu.memref_squeeze %dma_start3A_59 : memref<1x512xf32, #tpu.memory_space<hbm>> -> memref<512xf32, #tpu.memory_space<hbm>>
    %dma_start3A_61 = arith.constant 0 : i32
    %dma_start3A_62 = tpu.memref_slice %arg6[%rem3A_54, %dma_start3A_61] : memref<7x512xf32, #tpu.memory_space<vmem>> -> memref<1x512xf32, #tpu.memory_space<vmem>>
    %dma_start3A_63 = tpu.memref_squeeze %dma_start3A_62 : memref<1x512xf32, #tpu.memory_space<vmem>> -> memref<512xf32, #tpu.memory_space<vmem>>
    %dma_start3A_64 = arith.constant 0 : i32
    %dma_start3A_65 = tpu.memref_slice %arg2[%rem3A_54, %dma_start3A_64] : memref<7x512xf32, #tpu.memory_space<hbm>> -> memref<1x512xf32, #tpu.memory_space<hbm>>
    %dma_start3A_66 = tpu.memref_squeeze %dma_start3A_65 : memref<1x512xf32, #tpu.memory_space<hbm>> -> memref<512xf32, #tpu.memory_space<hbm>>
    tpu.enqueue_dma source(%dma_start3A_66 : memref<512xf32, #tpu.memory_space<hbm>>) target(%dma_start3A_63 : memref<512xf32, #tpu.memory_space<vmem>>) target_semaphore(%arg7 : memref<!tpu.dma_semaphore, #tpu.memory_space<semaphore_mem>>)
    %add3A_67 = arith.constant 4 : i32
    %add3A_68 = arith.addi %add3A, %add3A_67 : i32
    %rem3A_69 = arith.constant 7 : i32
    %rem3A_70 = arith.remsi %add3A_68, %rem3A_69 : i32
    %dma_start3A_71 = arith.constant 0 : i32
    %dma_start3A_72 = tpu.memref_slice %arg6[%rem3A_70, %dma_start3A_71] : memref<7x512xf32, #tpu.memory_space<vmem>> -> memref<1x512xf32, #tpu.memory_space<vmem>>
    %dma_start3A_73 = tpu.memref_squeeze %dma_start3A_72 : memref<1x512xf32, #tpu.memory_space<vmem>> -> memref<512xf32, #tpu.memory_space<vmem>>
    %dma_start3A_74 = arith.constant 0 : i32
    %dma_start3A_75 = tpu.memref_slice %arg2[%rem3A_70, %dma_start3A_74] : memref<7x512xf32, #tpu.memory_space<hbm>> -> memref<1x512xf32, #tpu.memory_space<hbm>>
    %dma_start3A_76 = tpu.memref_squeeze %dma_start3A_75 : memref<1x512xf32, #tpu.memory_space<hbm>> -> memref<512xf32, #tpu.memory_space<hbm>>
    %dma_start3A_77 = arith.constant 0 : i32
    %dma_start3A_78 = tpu.memref_slice %arg6[%rem3A_70, %dma_start3A_77] : memref<7x512xf32, #tpu.memory_space<vmem>> -> memref<1x512xf32, #tpu.memory_space<vmem>>
    %dma_start3A_79 = tpu.memref_squeeze %dma_start3A_78 : memref<1x512xf32, #tpu.memory_space<vmem>> -> memref<512xf32, #tpu.memory_space<vmem>>
    %dma_start3A_80 = arith.constant 0 : i32
    %dma_start3A_81 = tpu.memref_slice %arg2[%rem3A_70, %dma_start3A_80] : memref<7x512xf32, #tpu.memory_space<hbm>> -> memref<1x512xf32, #tpu.memory_space<hbm>>
    %dma_start3A_82 = tpu.memref_squeeze %dma_start3A_81 : memref<1x512xf32, #tpu.memory_space<hbm>> -> memref<512xf32, #tpu.memory_space<hbm>>
    tpu.enqueue_dma source(%dma_start3A_82 : memref<512xf32, #tpu.memory_space<hbm>>) target(%dma_start3A_79 : memref<512xf32, #tpu.memory_space<vmem>>) target_semaphore(%arg7 : memref<!tpu.dma_semaphore, #tpu.memory_space<semaphore_mem>>)
    %add3A_83 = arith.constant 5 : i32
    %add3A_84 = arith.addi %add3A, %add3A_83 : i32
    %rem3A_85 = arith.constant 7 : i32
    %rem3A_86 = arith.remsi %add3A_84, %rem3A_85 : i32
    %dma_start3A_87 = arith.constant 0 : i32
    %dma_start3A_88 = tpu.memref_slice %arg6[%rem3A_86, %dma_start3A_87] : memref<7x512xf32, #tpu.memory_space<vmem>> -> memref<1x512xf32, #tpu.memory_space<vmem>>
    %dma_start3A_89 = tpu.memref_squeeze %dma_start3A_88 : memref<1x512xf32, #tpu.memory_space<vmem>> -> memref<512xf32, #tpu.memory_space<vmem>>
    %dma_start3A_90 = arith.constant 0 : i32
    %dma_start3A_91 = tpu.memref_slice %arg2[%rem3A_86, %dma_start3A_90] : memref<7x512xf32, #tpu.memory_space<hbm>> -> memref<1x512xf32, #tpu.memory_space<hbm>>
    %dma_start3A_92 = tpu.memref_squeeze %dma_start3A_91 : memref<1x512xf32, #tpu.memory_space<hbm>> -> memref<512xf32, #tpu.memory_space<hbm>>
    %dma_start3A_93 = arith.constant 0 : i32
    %dma_start3A_94 = tpu.memref_slice %arg6[%rem3A_86, %dma_start3A_93] : memref<7x512xf32, #tpu.memory_space<vmem>> -> memref<1x512xf32, #tpu.memory_space<vmem>>
    %dma_start3A_95 = tpu.memref_squeeze %dma_start3A_94 : memref<1x512xf32, #tpu.memory_space<vmem>> -> memref<512xf32, #tpu.memory_space<vmem>>
    %dma_start3A_96 = arith.constant 0 : i32
    %dma_start3A_97 = tpu.memref_slice %arg2[%rem3A_86, %dma_start3A_96] : memref<7x512xf32, #tpu.memory_space<hbm>> -> memref<1x512xf32, #tpu.memory_space<hbm>>
    %dma_start3A_98 = tpu.memref_squeeze %dma_start3A_97 : memref<1x512xf32, #tpu.memory_space<hbm>> -> memref<512xf32, #tpu.memory_space<hbm>>
    tpu.enqueue_dma source(%dma_start3A_98 : memref<512xf32, #tpu.memory_space<hbm>>) target(%dma_start3A_95 : memref<512xf32, #tpu.memory_space<vmem>>) target_semaphore(%arg7 : memref<!tpu.dma_semaphore, #tpu.memory_space<semaphore_mem>>)
    %add3A_99 = arith.constant 6 : i32
    %add3A_100 = arith.addi %add3A, %add3A_99 : i32
    %rem3A_101 = arith.constant 7 : i32
    %rem3A_102 = arith.remsi %add3A_100, %rem3A_101 : i32
    %dma_start3A_103 = arith.constant 0 : i32
    %dma_start3A_104 = tpu.memref_slice %arg6[%rem3A_102, %dma_start3A_103] : memref<7x512xf32, #tpu.memory_space<vmem>> -> memref<1x512xf32, #tpu.memory_space<vmem>>
    %dma_start3A_105 = tpu.memref_squeeze %dma_start3A_104 : memref<1x512xf32, #tpu.memory_space<vmem>> -> memref<512xf32, #tpu.memory_space<vmem>>
    %dma_start3A_106 = arith.constant 0 : i32
    %dma_start3A_107 = tpu.memref_slice %arg2[%rem3A_102, %dma_start3A_106] : memref<7x512xf32, #tpu.memory_space<hbm>> -> memref<1x512xf32, #tpu.memory_space<hbm>>
    %dma_start3A_108 = tpu.memref_squeeze %dma_start3A_107 : memref<1x512xf32, #tpu.memory_space<hbm>> -> memref<512xf32, #tpu.memory_space<hbm>>
    %dma_start3A_109 = arith.constant 0 : i32
    %dma_start3A_110 = tpu.memref_slice %arg6[%rem3A_102, %dma_start3A_109] : memref<7x512xf32, #tpu.memory_space<vmem>> -> memref<1x512xf32, #tpu.memory_space<vmem>>
    %dma_start3A_111 = tpu.memref_squeeze %dma_start3A_110 : memref<1x512xf32, #tpu.memory_space<vmem>> -> memref<512xf32, #tpu.memory_space<vmem>>
    %dma_start3A_112 = arith.constant 0 : i32
    %dma_start3A_113 = tpu.memref_slice %arg2[%rem3A_102, %dma_start3A_112] : memref<7x512xf32, #tpu.memory_space<hbm>> -> memref<1x512xf32, #tpu.memory_space<hbm>>
    %dma_start3A_114 = tpu.memref_squeeze %dma_start3A_113 : memref<1x512xf32, #tpu.memory_space<hbm>> -> memref<512xf32, #tpu.memory_space<hbm>>
    tpu.enqueue_dma source(%dma_start3A_114 : memref<512xf32, #tpu.memory_space<hbm>>) target(%dma_start3A_111 : memref<512xf32, #tpu.memory_space<vmem>>) target_semaphore(%arg7 : memref<!tpu.dma_semaphore, #tpu.memory_space<semaphore_mem>>)
    %dma_wait3A = tpu.memref_slice %arg3[%mul3A_2] : memref<1024xi32, #tpu.memory_space<hbm>> -> memref<32xi32, #tpu.memory_space<hbm>>
    %dma_wait3A_115 = tpu.memref_slice %arg3[%mul3A_2] : memref<1024xi32, #tpu.memory_space<hbm>> -> memref<32xi32, #tpu.memory_space<hbm>>
    tpu.wait_dma2 semaphore(%arg7 : memref<!tpu.dma_semaphore, #tpu.memory_space<semaphore_mem>>) src(%dma_wait3A_115 : memref<32xi32, #tpu.memory_space<hbm>>) dst(%arg5 : memref<32xi32, #tpu.memory_space<vmem>>)
    %dma_wait3A_116 = arith.constant 0 : i32
    %dma_wait3A_117 = tpu.memref_slice %arg6[%rem3A_6, %dma_wait3A_116] : memref<7x512xf32, #tpu.memory_space<vmem>> -> memref<1x512xf32, #tpu.memory_space<vmem>>
    %dma_wait3A_118 = tpu.memref_squeeze %dma_wait3A_117 : memref<1x512xf32, #tpu.memory_space<vmem>> -> memref<512xf32, #tpu.memory_space<vmem>>
    %dma_wait3A_119 = arith.constant 0 : i32
    %dma_wait3A_120 = tpu.memref_slice %arg2[%rem3A_6, %dma_wait3A_119] : memref<7x512xf32, #tpu.memory_space<hbm>> -> memref<1x512xf32, #tpu.memory_space<hbm>>
    %dma_wait3A_121 = tpu.memref_squeeze %dma_wait3A_120 : memref<1x512xf32, #tpu.memory_space<hbm>> -> memref<512xf32, #tpu.memory_space<hbm>>
    %dma_wait3A_122 = arith.constant 0 : i32
    %dma_wait3A_123 = tpu.memref_slice %arg6[%rem3A_6, %dma_wait3A_122] : memref<7x512xf32, #tpu.memory_space<vmem>> -> memref<1x512xf32, #tpu.memory_space<vmem>>
    %dma_wait3A_124 = tpu.memref_squeeze %dma_wait3A_123 : memref<1x512xf32, #tpu.memory_space<vmem>> -> memref<512xf32, #tpu.memory_space<vmem>>
    %dma_wait3A_125 = arith.constant 0 : i32
    %dma_wait3A_126 = tpu.memref_slice %arg2[%rem3A_6, %dma_wait3A_125] : memref<7x512xf32, #tpu.memory_space<hbm>> -> memref<1x512xf32, #tpu.memory_space<hbm>>
    %dma_wait3A_127 = tpu.memref_squeeze %dma_wait3A_126 : memref<1x512xf32, #tpu.memory_space<hbm>> -> memref<512xf32, #tpu.memory_space<hbm>>
    tpu.wait_dma2 semaphore(%arg7 : memref<!tpu.dma_semaphore, #tpu.memory_space<semaphore_mem>>) src(%dma_wait3A_127 : memref<512xf32, #tpu.memory_space<hbm>>) dst(%dma_wait3A_124 : memref<512xf32, #tpu.memory_space<vmem>>)
    %dma_wait3A_128 = arith.constant 0 : i32
    %dma_wait3A_129 = tpu.memref_slice %arg6[%rem3A_22, %dma_wait3A_128] : memref<7x512xf32, #tpu.memory_space<vmem>> -> memref<1x512xf32, #tpu.memory_space<vmem>>
    %dma_wait3A_130 = tpu.memref_squeeze %dma_wait3A_129 : memref<1x512xf32, #tpu.memory_space<vmem>> -> memref<512xf32, #tpu.memory_space<vmem>>
    %dma_wait3A_131 = arith.constant 0 : i32
    %dma_wait3A_132 = tpu.memref_slice %arg2[%rem3A_22, %dma_wait3A_131] : memref<7x512xf32, #tpu.memory_space<hbm>> -> memref<1x512xf32, #tpu.memory_space<hbm>>
    %dma_wait3A_133 = tpu.memref_squeeze %dma_wait3A_132 : memref<1x512xf32, #tpu.memory_space<hbm>> -> memref<512xf32, #tpu.memory_space<hbm>>
    %dma_wait3A_134 = arith.constant 0 : i32
    %dma_wait3A_135 = tpu.memref_slice %arg6[%rem3A_22, %dma_wait3A_134] : memref<7x512xf32, #tpu.memory_space<vmem>> -> memref<1x512xf32, #tpu.memory_space<vmem>>
    %dma_wait3A_136 = tpu.memref_squeeze %dma_wait3A_135 : memref<1x512xf32, #tpu.memory_space<vmem>> -> memref<512xf32, #tpu.memory_space<vmem>>
    %dma_wait3A_137 = arith.constant 0 : i32
    %dma_wait3A_138 = tpu.memref_slice %arg2[%rem3A_22, %dma_wait3A_137] : memref<7x512xf32, #tpu.memory_space<hbm>> -> memref<1x512xf32, #tpu.memory_space<hbm>>
    %dma_wait3A_139 = tpu.memref_squeeze %dma_wait3A_138 : memref<1x512xf32, #tpu.memory_space<hbm>> -> memref<512xf32, #tpu.memory_space<hbm>>
    tpu.wait_dma2 semaphore(%arg7 : memref<!tpu.dma_semaphore, #tpu.memory_space<semaphore_mem>>) src(%dma_wait3A_139 : memref<512xf32, #tpu.memory_space<hbm>>) dst(%dma_wait3A_136 : memref<512xf32, #tpu.memory_space<vmem>>)
    %dma_wait3A_140 = arith.constant 0 : i32
    %dma_wait3A_141 = tpu.memref_slice %arg6[%rem3A_38, %dma_wait3A_140] : memref<7x512xf32, #tpu.memory_space<vmem>> -> memref<1x512xf32, #tpu.memory_space<vmem>>
    %dma_wait3A_142 = tpu.memref_squeeze %dma_wait3A_141 : memref<1x512xf32, #tpu.memory_space<vmem>> -> memref<512xf32, #tpu.memory_space<vmem>>
    %dma_wait3A_143 = arith.constant 0 : i32
    %dma_wait3A_144 = tpu.memref_slice %arg2[%rem3A_38, %dma_wait3A_143] : memref<7x512xf32, #tpu.memory_space<hbm>> -> memref<1x512xf32, #tpu.memory_space<hbm>>
    %dma_wait3A_145 = tpu.memref_squeeze %dma_wait3A_144 : memref<1x512xf32, #tpu.memory_space<hbm>> -> memref<512xf32, #tpu.memory_space<hbm>>
    %dma_wait3A_146 = arith.constant 0 : i32
    %dma_wait3A_147 = tpu.memref_slice %arg6[%rem3A_38, %dma_wait3A_146] : memref<7x512xf32, #tpu.memory_space<vmem>> -> memref<1x512xf32, #tpu.memory_space<vmem>>
    %dma_wait3A_148 = tpu.memref_squeeze %dma_wait3A_147 : memref<1x512xf32, #tpu.memory_space<vmem>> -> memref<512xf32, #tpu.memory_space<vmem>>
    %dma_wait3A_149 = arith.constant 0 : i32
    %dma_wait3A_150 = tpu.memref_slice %arg2[%rem3A_38, %dma_wait3A_149] : memref<7x512xf32, #tpu.memory_space<hbm>> -> memref<1x512xf32, #tpu.memory_space<hbm>>
    %dma_wait3A_151 = tpu.memref_squeeze %dma_wait3A_150 : memref<1x512xf32, #tpu.memory_space<hbm>> -> memref<512xf32, #tpu.memory_space<hbm>>
    tpu.wait_dma2 semaphore(%arg7 : memref<!tpu.dma_semaphore, #tpu.memory_space<semaphore_mem>>) src(%dma_wait3A_151 : memref<512xf32, #tpu.memory_space<hbm>>) dst(%dma_wait3A_148 : memref<512xf32, #tpu.memory_space<vmem>>)
    %dma_wait3A_152 = arith.constant 0 : i32
    %dma_wait3A_153 = tpu.memref_slice %arg6[%rem3A_54, %dma_wait3A_152] : memref<7x512xf32, #tpu.memory_space<vmem>> -> memref<1x512xf32, #tpu.memory_space<vmem>>
    %dma_wait3A_154 = tpu.memref_squeeze %dma_wait3A_153 : memref<1x512xf32, #tpu.memory_space<vmem>> -> memref<512xf32, #tpu.memory_space<vmem>>
    %dma_wait3A_155 = arith.constant 0 : i32
    %dma_wait3A_156 = tpu.memref_slice %arg2[%rem3A_54, %dma_wait3A_155] : memref<7x512xf32, #tpu.memory_space<hbm>> -> memref<1x512xf32, #tpu.memory_space<hbm>>
    %dma_wait3A_157 = tpu.memref_squeeze %dma_wait3A_156 : memref<1x512xf32, #tpu.memory_space<hbm>> -> memref<512xf32, #tpu.memory_space<hbm>>
    %dma_wait3A_158 = arith.constant 0 : i32
    %dma_wait3A_159 = tpu.memref_slice %arg6[%rem3A_54, %dma_wait3A_158] : memref<7x512xf32, #tpu.memory_space<vmem>> -> memref<1x512xf32, #tpu.memory_space<vmem>>
    %dma_wait3A_160 = tpu.memref_squeeze %dma_wait3A_159 : memref<1x512xf32, #tpu.memory_space<vmem>> -> memref<512xf32, #tpu.memory_space<vmem>>
    %dma_wait3A_161 = arith.constant 0 : i32
    %dma_wait3A_162 = tpu.memref_slice %arg2[%rem3A_54, %dma_wait3A_161] : memref<7x512xf32, #tpu.memory_space<hbm>> -> memref<1x512xf32, #tpu.memory_space<hbm>>
    %dma_wait3A_163 = tpu.memref_squeeze %dma_wait3A_162 : memref<1x512xf32, #tpu.memory_space<hbm>> -> memref<512xf32, #tpu.memory_space<hbm>>
    tpu.wait_dma2 semaphore(%arg7 : memref<!tpu.dma_semaphore, #tpu.memory_space<semaphore_mem>>) src(%dma_wait3A_163 : memref<512xf32, #tpu.memory_space<hbm>>) dst(%dma_wait3A_160 : memref<512xf32, #tpu.memory_space<vmem>>)
    %dma_wait3A_164 = arith.constant 0 : i32
    %dma_wait3A_165 = tpu.memref_slice %arg6[%rem3A_70, %dma_wait3A_164] : memref<7x512xf32, #tpu.memory_space<vmem>> -> memref<1x512xf32, #tpu.memory_space<vmem>>
    %dma_wait3A_166 = tpu.memref_squeeze %dma_wait3A_165 : memref<1x512xf32, #tpu.memory_space<vmem>> -> memref<512xf32, #tpu.memory_space<vmem>>
    %dma_wait3A_167 = arith.constant 0 : i32
    %dma_wait3A_168 = tpu.memref_slice %arg2[%rem3A_70, %dma_wait3A_167] : memref<7x512xf32, #tpu.memory_space<hbm>> -> memref<1x512xf32, #tpu.memory_space<hbm>>
    %dma_wait3A_169 = tpu.memref_squeeze %dma_wait3A_168 : memref<1x512xf32, #tpu.memory_space<hbm>> -> memref<512xf32, #tpu.memory_space<hbm>>
    %dma_wait3A_170 = arith.constant 0 : i32
    %dma_wait3A_171 = tpu.memref_slice %arg6[%rem3A_70, %dma_wait3A_170] : memref<7x512xf32, #tpu.memory_space<vmem>> -> memref<1x512xf32, #tpu.memory_space<vmem>>
    %dma_wait3A_172 = tpu.memref_squeeze %dma_wait3A_171 : memref<1x512xf32, #tpu.memory_space<vmem>> -> memref<512xf32, #tpu.memory_space<vmem>>
    %dma_wait3A_173 = arith.constant 0 : i32
    %dma_wait3A_174 = tpu.memref_slice %arg2[%rem3A_70, %dma_wait3A_173] : memref<7x512xf32, #tpu.memory_space<hbm>> -> memref<1x512xf32, #tpu.memory_space<hbm>>
    %dma_wait3A_175 = tpu.memref_squeeze %dma_wait3A_174 : memref<1x512xf32, #tpu.memory_space<hbm>> -> memref<512xf32, #tpu.memory_space<hbm>>
    tpu.wait_dma2 semaphore(%arg7 : memref<!tpu.dma_semaphore, #tpu.memory_space<semaphore_mem>>) src(%dma_wait3A_175 : memref<512xf32, #tpu.memory_space<hbm>>) dst(%dma_wait3A_172 : memref<512xf32, #tpu.memory_space<vmem>>)
    %dma_wait3A_176 = arith.constant 0 : i32
    %dma_wait3A_177 = tpu.memref_slice %arg6[%rem3A_86, %dma_wait3A_176] : memref<7x512xf32, #tpu.memory_space<vmem>> -> memref<1x512xf32, #tpu.memory_space<vmem>>
    %dma_wait3A_178 = tpu.memref_squeeze %dma_wait3A_177 : memref<1x512xf32, #tpu.memory_space<vmem>> -> memref<512xf32, #tpu.memory_space<vmem>>
    %dma_wait3A_179 = arith.constant 0 : i32
    %dma_wait3A_180 = tpu.memref_slice %arg2[%rem3A_86, %dma_wait3A_179] : memref<7x512xf32, #tpu.memory_space<hbm>> -> memref<1x512xf32, #tpu.memory_space<hbm>>
    %dma_wait3A_181 = tpu.memref_squeeze %dma_wait3A_180 : memref<1x512xf32, #tpu.memory_space<hbm>> -> memref<512xf32, #tpu.memory_space<hbm>>
    %dma_wait3A_182 = arith.constant 0 : i32
    %dma_wait3A_183 = tpu.memref_slice %arg6[%rem3A_86, %dma_wait3A_182] : memref<7x512xf32, #tpu.memory_space<vmem>> -> memref<1x512xf32, #tpu.memory_space<vmem>>
    %dma_wait3A_184 = tpu.memref_squeeze %dma_wait3A_183 : memref<1x512xf32, #tpu.memory_space<vmem>> -> memref<512xf32, #tpu.memory_space<vmem>>
    %dma_wait3A_185 = arith.constant 0 : i32
    %dma_wait3A_186 = tpu.memref_slice %arg2[%rem3A_86, %dma_wait3A_185] : memref<7x512xf32, #tpu.memory_space<hbm>> -> memref<1x512xf32, #tpu.memory_space<hbm>>
    %dma_wait3A_187 = tpu.memref_squeeze %dma_wait3A_186 : memref<1x512xf32, #tpu.memory_space<hbm>> -> memref<512xf32, #tpu.memory_space<hbm>>
    tpu.wait_dma2 semaphore(%arg7 : memref<!tpu.dma_semaphore, #tpu.memory_space<semaphore_mem>>) src(%dma_wait3A_187 : memref<512xf32, #tpu.memory_space<hbm>>) dst(%dma_wait3A_184 : memref<512xf32, #tpu.memory_space<vmem>>)
    %dma_wait3A_188 = arith.constant 0 : i32
    %dma_wait3A_189 = tpu.memref_slice %arg6[%rem3A_102, %dma_wait3A_188] : memref<7x512xf32, #tpu.memory_space<vmem>> -> memref<1x512xf32, #tpu.memory_space<vmem>>
    %dma_wait3A_190 = tpu.memref_squeeze %dma_wait3A_189 : memref<1x512xf32, #tpu.memory_space<vmem>> -> memref<512xf32, #tpu.memory_space<vmem>>
    %dma_wait3A_191 = arith.constant 0 : i32
    %dma_wait3A_192 = tpu.memref_slice %arg2[%rem3A_102, %dma_wait3A_191] : memref<7x512xf32, #tpu.memory_space<hbm>> -> memref<1x512xf32, #tpu.memory_space<hbm>>
    %dma_wait3A_193 = tpu.memref_squeeze %dma_wait3A_192 : memref<1x512xf32, #tpu.memory_space<hbm>> -> memref<512xf32, #tpu.memory_space<hbm>>
    %dma_wait3A_194 = arith.constant 0 : i32
    %dma_wait3A_195 = tpu.memref_slice %arg6[%rem3A_102, %dma_wait3A_194] : memref<7x512xf32, #tpu.memory_space<vmem>> -> memref<1x512xf32, #tpu.memory_space<vmem>>
    %dma_wait3A_196 = tpu.memref_squeeze %dma_wait3A_195 : memref<1x512xf32, #tpu.memory_space<vmem>> -> memref<512xf32, #tpu.memory_space<vmem>>
    %dma_wait3A_197 = arith.constant 0 : i32
    %dma_wait3A_198 = tpu.memref_slice %arg2[%rem3A_102, %dma_wait3A_197] : memref<7x512xf32, #tpu.memory_space<hbm>> -> memref<1x512xf32, #tpu.memory_space<hbm>>
    %dma_wait3A_199 = tpu.memref_squeeze %dma_wait3A_198 : memref<1x512xf32, #tpu.memory_space<hbm>> -> memref<512xf32, #tpu.memory_space<hbm>>
    tpu.wait_dma2 semaphore(%arg7 : memref<!tpu.dma_semaphore, #tpu.memory_space<semaphore_mem>>) src(%dma_wait3A_199 : memref<512xf32, #tpu.memory_space<hbm>>) dst(%dma_wait3A_196 : memref<512xf32, #tpu.memory_space<vmem>>)
    %scan3A = arith.constant 0 : i32
    %scan3A_200 = arith.constant 0.142857149 : f32
    %scan3A_201 = arith.constant 0 : i32
    %scan3A_202 = arith.constant 7 : i32
    %scan3A_203 = arith.addi %scan3A_201, %scan3A_202 : i32
    %scan3A_204 = arith.constant 1 : i32
    scf.for %scan3A_216 = %scan3A_201 to %scan3A_203 step %scan3A_204  : i32 {
      %get3A = arith.index_cast %scan3A_216 : i32 to index
      %get3A_217 = arith.constant 0 : index
      %get3A_218 = tpu.vector_load %arg6[%get3A, %get3A_217] {strides = array<i32>} : memref<7x512xf32, #tpu.memory_space<vmem>>, vector<16xf32>,
      %mul3A_219 = vector.broadcast %scan3A_200 : f32 to vector<16xf32>
      %mul3A_220 = arith.mulf %get3A_218, %mul3A_219 : vector<16xf32>
      %swap3A = arith.index_cast %scan3A_216 : i32 to index
      %swap3A_221 = arith.constant 0 : index
      %swap3A_222 = tpu.vector_load %arg6[%swap3A, %swap3A_221] {strides = array<i32>} : memref<7x512xf32, #tpu.memory_space<vmem>>, vector<16xf32>,
      tpu.vector_store %arg6[%swap3A, %swap3A_221], %mul3A_220 {strides = array<i32>} : memref<7x512xf32, #tpu.memory_space<vmem>>, vector<16xf32>,
      %get3A_223 = arith.index_cast %scan3A_216 : i32 to index
      %get3A_224 = arith.constant 16 : index
      %get3A_225 = tpu.vector_load %arg6[%get3A_223, %get3A_224] {strides = array<i32>} : memref<7x512xf32, #tpu.memory_space<vmem>>, vector<16xf32>,
      %mul3A_226 = vector.broadcast %scan3A_200 : f32 to vector<16xf32>
      %mul3A_227 = arith.mulf %get3A_225, %mul3A_226 : vector<16xf32>
      %swap3A_228 = arith.index_cast %scan3A_216 : i32 to index
      %swap3A_229 = arith.constant 16 : index
      %swap3A_230 = tpu.vector_load %arg6[%swap3A_228, %swap3A_229] {strides = array<i32>} : memref<7x512xf32, #tpu.memory_space<vmem>>, vector<16xf32>,
      tpu.vector_store %arg6[%swap3A_228, %swap3A_229], %mul3A_227 {strides = array<i32>} : memref<7x512xf32, #tpu.memory_space<vmem>>, vector<16xf32>,
      %get3A_231 = arith.index_cast %scan3A_216 : i32 to index
      %get3A_232 = arith.constant 32 : index
      %get3A_233 = tpu.vector_load %arg6[%get3A_231, %get3A_232] {strides = array<i32>} : memref<7x512xf32, #tpu.memory_space<vmem>>, vector<16xf32>,
      %mul3A_234 = vector.broadcast %scan3A_200 : f32 to vector<16xf32>
      %mul3A_235 = arith.mulf %get3A_233, %mul3A_234 : vector<16xf32>
      %swap3A_236 = arith.index_cast %scan3A_216 : i32 to index
      %swap3A_237 = arith.constant 32 : index
      %swap3A_238 = tpu.vector_load %arg6[%swap3A_236, %swap3A_237] {strides = array<i32>} : memref<7x512xf32, #tpu.memory_space<vmem>>, vector<16xf32>,
      tpu.vector_store %arg6[%swap3A_236, %swap3A_237], %mul3A_235 {strides = array<i32>} : memref<7x512xf32, #tpu.memory_space<vmem>>, vector<16xf32>,
      %get3A_239 = arith.index_cast %scan3A_216 : i32 to index
      %get3A_240 = arith.constant 48 : index
      %get3A_241 = tpu.vector_load %arg6[%get3A_239, %get3A_240] {strides = array<i32>} : memref<7x512xf32, #tpu.memory_space<vmem>>, vector<16xf32>,
      %mul3A_242 = vector.broadcast %scan3A_200 : f32 to vector<16xf32>
      %mul3A_243 = arith.mulf %get3A_241, %mul3A_242 : vector<16xf32>
      %swap3A_244 = arith.index_cast %scan3A_216 : i32 to index
      %swap3A_245 = arith.constant 48 : index
      %swap3A_246 = tpu.vector_load %arg6[%swap3A_244, %swap3A_245] {strides = array<i32>} : memref<7x512xf32, #tpu.memory_space<vmem>>, vector<16xf32>,
      tpu.vector_store %arg6[%swap3A_244, %swap3A_245], %mul3A_243 {strides = array<i32>} : memref<7x512xf32, #tpu.memory_space<vmem>>, vector<16xf32>,
      %get3A_247 = arith.index_cast %scan3A_216 : i32 to index
      %get3A_248 = arith.constant 64 : index
      %get3A_249 = tpu.vector_load %arg6[%get3A_247, %get3A_248] {strides = array<i32>} : memref<7x512xf32, #tpu.memory_space<vmem>>, vector<16xf32>,
      %mul3A_250 = vector.broadcast %scan3A_200 : f32 to vector<16xf32>
      %mul3A_251 = arith.mulf %get3A_249, %mul3A_250 : vector<16xf32>
      %swap3A_252 = arith.index_cast %scan3A_216 : i32 to index
      %swap3A_253 = arith.constant 64 : index
      %swap3A_254 = tpu.vector_load %arg6[%swap3A_252, %swap3A_253] {strides = array<i32>} : memref<7x512xf32, #tpu.memory_space<vmem>>, vector<16xf32>,
      tpu.vector_store %arg6[%swap3A_252, %swap3A_253], %mul3A_251 {strides = array<i32>} : memref<7x512xf32, #tpu.memory_space<vmem>>, vector<16xf32>,
      %get3A_255 = arith.index_cast %scan3A_216 : i32 to index
      %get3A_256 = arith.constant 80 : index
      %get3A_257 = tpu.vector_load %arg6[%get3A_255, %get3A_256] {strides = array<i32>} : memref<7x512xf32, #tpu.memory_space<vmem>>, vector<16xf32>,
      %mul3A_258 = vector.broadcast %scan3A_200 : f32 to vector<16xf32>
      %mul3A_259 = arith.mulf %get3A_257, %mul3A_258 : vector<16xf32>
      %swap3A_260 = arith.index_cast %scan3A_216 : i32 to index
      %swap3A_261 = arith.constant 80 : index
      %swap3A_262 = tpu.vector_load %arg6[%swap3A_260, %swap3A_261] {strides = array<i32>} : memref<7x512xf32, #tpu.memory_space<vmem>>, vector<16xf32>,
      tpu.vector_store %arg6[%swap3A_260, %swap3A_261], %mul3A_259 {strides = array<i32>} : memref<7x512xf32, #tpu.memory_space<vmem>>, vector<16xf32>,
      %get3A_263 = arith.index_cast %scan3A_216 : i32 to index
      %get3A_264 = arith.constant 96 : index
      %get3A_265 = tpu.vector_load %arg6[%get3A_263, %get3A_264] {strides = array<i32>} : memref<7x512xf32, #tpu.memory_space<vmem>>, vector<16xf32>,
      %mul3A_266 = vector.broadcast %scan3A_200 : f32 to vector<16xf32>
      %mul3A_267 = arith.mulf %get3A_265, %mul3A_266 : vector<16xf32>
      %swap3A_268 = arith.index_cast %scan3A_216 : i32 to index
      %swap3A_269 = arith.constant 96 : index
      %swap3A_270 = tpu.vector_load %arg6[%swap3A_268, %swap3A_269] {strides = array<i32>} : memref<7x512xf32, #tpu.memory_space<vmem>>, vector<16xf32>,
      tpu.vector_store %arg6[%swap3A_268, %swap3A_269], %mul3A_267 {strides = array<i32>} : memref<7x512xf32, #tpu.memory_space<vmem>>, vector<16xf32>,
      %get3A_271 = arith.index_cast %scan3A_216 : i32 to index
      %get3A_272 = arith.constant 112 : index
      %get3A_273 = tpu.vector_load %arg6[%get3A_271, %get3A_272] {strides = array<i32>} : memref<7x512xf32, #tpu.memory_space<vmem>>, vector<16xf32>,
      %mul3A_274 = vector.broadcast %scan3A_200 : f32 to vector<16xf32>
      %mul3A_275 = arith.mulf %get3A_273, %mul3A_274 : vector<16xf32>
      %swap3A_276 = arith.index_cast %scan3A_216 : i32 to index
      %swap3A_277 = arith.constant 112 : index
      %swap3A_278 = tpu.vector_load %arg6[%swap3A_276, %swap3A_277] {strides = array<i32>} : memref<7x512xf32, #tpu.memory_space<vmem>>, vector<16xf32>,
      tpu.vector_store %arg6[%swap3A_276, %swap3A_277], %mul3A_275 {strides = array<i32>} : memref<7x512xf32, #tpu.memory_space<vmem>>, vector<16xf32>,
      %get3A_279 = arith.index_cast %scan3A_216 : i32 to index
      %get3A_280 = arith.constant 128 : index
      %get3A_281 = tpu.vector_load %arg6[%get3A_279, %get3A_280] {strides = array<i32>} : memref<7x512xf32, #tpu.memory_space<vmem>>, vector<16xf32>,
      %mul3A_282 = vector.broadcast %scan3A_200 : f32 to vector<16xf32>
      %mul3A_283 = arith.mulf %get3A_281, %mul3A_282 : vector<16xf32>
      %swap3A_284 = arith.index_cast %scan3A_216 : i32 to index
      %swap3A_285 = arith.constant 128 : index
      %swap3A_286 = tpu.vector_load %arg6[%swap3A_284, %swap3A_285] {strides = array<i32>} : memref<7x512xf32, #tpu.memory_space<vmem>>, vector<16xf32>,
      tpu.vector_store %arg6[%swap3A_284, %swap3A_285], %mul3A_283 {strides = array<i32>} : memref<7x512xf32, #tpu.memory_space<vmem>>, vector<16xf32>,
      %get3A_287 = arith.index_cast %scan3A_216 : i32 to index
      %get3A_288 = arith.constant 144 : index
      %get3A_289 = tpu.vector_load %arg6[%get3A_287, %get3A_288] {strides = array<i32>} : memref<7x512xf32, #tpu.memory_space<vmem>>, vector<16xf32>,
      %mul3A_290 = vector.broadcast %scan3A_200 : f32 to vector<16xf32>
      %mul3A_291 = arith.mulf %get3A_289, %mul3A_290 : vector<16xf32>
      %swap3A_292 = arith.index_cast %scan3A_216 : i32 to index
      %swap3A_293 = arith.constant 144 : index
      %swap3A_294 = tpu.vector_load %arg6[%swap3A_292, %swap3A_293] {strides = array<i32>} : memref<7x512xf32, #tpu.memory_space<vmem>>, vector<16xf32>,
      tpu.vector_store %arg6[%swap3A_292, %swap3A_293], %mul3A_291 {strides = array<i32>} : memref<7x512xf32, #tpu.memory_space<vmem>>, vector<16xf32>,
      %get3A_295 = arith.index_cast %scan3A_216 : i32 to index
      %get3A_296 = arith.constant 160 : index
      %get3A_297 = tpu.vector_load %arg6[%get3A_295, %get3A_296] {strides = array<i32>} : memref<7x512xf32, #tpu.memory_space<vmem>>, vector<16xf32>,
      %mul3A_298 = vector.broadcast %scan3A_200 : f32 to vector<16xf32>
      %mul3A_299 = arith.mulf %get3A_297, %mul3A_298 : vector<16xf32>
      %swap3A_300 = arith.index_cast %scan3A_216 : i32 to index
      %swap3A_301 = arith.constant 160 : index
      %swap3A_302 = tpu.vector_load %arg6[%swap3A_300, %swap3A_301] {strides = array<i32>} : memref<7x512xf32, #tpu.memory_space<vmem>>, vector<16xf32>,
      tpu.vector_store %arg6[%swap3A_300, %swap3A_301], %mul3A_299 {strides = array<i32>} : memref<7x512xf32, #tpu.memory_space<vmem>>, vector<16xf32>,
      %get3A_303 = arith.index_cast %scan3A_216 : i32 to index
      %get3A_304 = arith.constant 176 : index
      %get3A_305 = tpu.vector_load %arg6[%get3A_303, %get3A_304] {strides = array<i32>} : memref<7x512xf32, #tpu.memory_space<vmem>>, vector<16xf32>,
      %mul3A_306 = vector.broadcast %scan3A_200 : f32 to vector<16xf32>
      %mul3A_307 = arith.mulf %get3A_305, %mul3A_306 : vector<16xf32>
      %swap3A_308 = arith.index_cast %scan3A_216 : i32 to index
      %swap3A_309 = arith.constant 176 : index
      %swap3A_310 = tpu.vector_load %arg6[%swap3A_308, %swap3A_309] {strides = array<i32>} : memref<7x512xf32, #tpu.memory_space<vmem>>, vector<16xf32>,
      tpu.vector_store %arg6[%swap3A_308, %swap3A_309], %mul3A_307 {strides = array<i32>} : memref<7x512xf32, #tpu.memory_space<vmem>>, vector<16xf32>,
      %get3A_311 = arith.index_cast %scan3A_216 : i32 to index
      %get3A_312 = arith.constant 192 : index
      %get3A_313 = tpu.vector_load %arg6[%get3A_311, %get3A_312] {strides = array<i32>} : memref<7x512xf32, #tpu.memory_space<vmem>>, vector<16xf32>,
      %mul3A_314 = vector.broadcast %scan3A_200 : f32 to vector<16xf32>
      %mul3A_315 = arith.mulf %get3A_313, %mul3A_314 : vector<16xf32>
      %swap3A_316 = arith.index_cast %scan3A_216 : i32 to index
      %swap3A_317 = arith.constant 192 : index
      %swap3A_318 = tpu.vector_load %arg6[%swap3A_316, %swap3A_317] {strides = array<i32>} : memref<7x512xf32, #tpu.memory_space<vmem>>, vector<16xf32>,
      tpu.vector_store %arg6[%swap3A_316, %swap3A_317], %mul3A_315 {strides = array<i32>} : memref<7x512xf32, #tpu.memory_space<vmem>>, vector<16xf32>,
      %get3A_319 = arith.index_cast %scan3A_216 : i32 to index
      %get3A_320 = arith.constant 208 : index
      %get3A_321 = tpu.vector_load %arg6[%get3A_319, %get3A_320] {strides = array<i32>} : memref<7x512xf32, #tpu.memory_space<vmem>>, vector<16xf32>,
      %mul3A_322 = vector.broadcast %scan3A_200 : f32 to vector<16xf32>
      %mul3A_323 = arith.mulf %get3A_321, %mul3A_322 : vector<16xf32>
      %swap3A_324 = arith.index_cast %scan3A_216 : i32 to index
      %swap3A_325 = arith.constant 208 : index
      %swap3A_326 = tpu.vector_load %arg6[%swap3A_324, %swap3A_325] {strides = array<i32>} : memref<7x512xf32, #tpu.memory_space<vmem>>, vector<16xf32>,
      tpu.vector_store %arg6[%swap3A_324, %swap3A_325], %mul3A_323 {strides = array<i32>} : memref<7x512xf32, #tpu.memory_space<vmem>>, vector<16xf32>,
      %get3A_327 = arith.index_cast %scan3A_216 : i32 to index
      %get3A_328 = arith.constant 224 : index
      %get3A_329 = tpu.vector_load %arg6[%get3A_327, %get3A_328] {strides = array<i32>} : memref<7x512xf32, #tpu.memory_space<vmem>>, vector<16xf32>,
      %mul3A_330 = vector.broadcast %scan3A_200 : f32 to vector<16xf32>
      %mul3A_331 = arith.mulf %get3A_329, %mul3A_330 : vector<16xf32>
      %swap3A_332 = arith.index_cast %scan3A_216 : i32 to index
      %swap3A_333 = arith.constant 224 : index
      %swap3A_334 = tpu.vector_load %arg6[%swap3A_332, %swap3A_333] {strides = array<i32>} : memref<7x512xf32, #tpu.memory_space<vmem>>, vector<16xf32>,
      tpu.vector_store %arg6[%swap3A_332, %swap3A_333], %mul3A_331 {strides = array<i32>} : memref<7x512xf32, #tpu.memory_space<vmem>>, vector<16xf32>,
      %get3A_335 = arith.index_cast %scan3A_216 : i32 to index
      %get3A_336 = arith.constant 240 : index
      %get3A_337 = tpu.vector_load %arg6[%get3A_335, %get3A_336] {strides = array<i32>} : memref<7x512xf32, #tpu.memory_space<vmem>>, vector<16xf32>,
      %mul3A_338 = vector.broadcast %scan3A_200 : f32 to vector<16xf32>
      %mul3A_339 = arith.mulf %get3A_337, %mul3A_338 : vector<16xf32>
      %swap3A_340 = arith.index_cast %scan3A_216 : i32 to index
      %swap3A_341 = arith.constant 240 : index
      %swap3A_342 = tpu.vector_load %arg6[%swap3A_340, %swap3A_341] {strides = array<i32>} : memref<7x512xf32, #tpu.memory_space<vmem>>, vector<16xf32>,
      tpu.vector_store %arg6[%swap3A_340, %swap3A_341], %mul3A_339 {strides = array<i32>} : memref<7x512xf32, #tpu.memory_space<vmem>>, vector<16xf32>,
      %get3A_343 = arith.index_cast %scan3A_216 : i32 to index
      %get3A_344 = arith.constant 256 : index
      %get3A_345 = tpu.vector_load %arg6[%get3A_343, %get3A_344] {strides = array<i32>} : memref<7x512xf32, #tpu.memory_space<vmem>>, vector<16xf32>,
      %mul3A_346 = vector.broadcast %scan3A_200 : f32 to vector<16xf32>
      %mul3A_347 = arith.mulf %get3A_345, %mul3A_346 : vector<16xf32>
      %swap3A_348 = arith.index_cast %scan3A_216 : i32 to index
      %swap3A_349 = arith.constant 256 : index
      %swap3A_350 = tpu.vector_load %arg6[%swap3A_348, %swap3A_349] {strides = array<i32>} : memref<7x512xf32, #tpu.memory_space<vmem>>, vector<16xf32>,
      tpu.vector_store %arg6[%swap3A_348, %swap3A_349], %mul3A_347 {strides = array<i32>} : memref<7x512xf32, #tpu.memory_space<vmem>>, vector<16xf32>,
      %get3A_351 = arith.index_cast %scan3A_216 : i32 to index
      %get3A_352 = arith.constant 272 : index
      %get3A_353 = tpu.vector_load %arg6[%get3A_351, %get3A_352] {strides = array<i32>} : memref<7x512xf32, #tpu.memory_space<vmem>>, vector<16xf32>,
      %mul3A_354 = vector.broadcast %scan3A_200 : f32 to vector<16xf32>
      %mul3A_355 = arith.mulf %get3A_353, %mul3A_354 : vector<16xf32>
      %swap3A_356 = arith.index_cast %scan3A_216 : i32 to index
      %swap3A_357 = arith.constant 272 : index
      %swap3A_358 = tpu.vector_load %arg6[%swap3A_356, %swap3A_357] {strides = array<i32>} : memref<7x512xf32, #tpu.memory_space<vmem>>, vector<16xf32>,
      tpu.vector_store %arg6[%swap3A_356, %swap3A_357], %mul3A_355 {strides = array<i32>} : memref<7x512xf32, #tpu.memory_space<vmem>>, vector<16xf32>,
      %get3A_359 = arith.index_cast %scan3A_216 : i32 to index
      %get3A_360 = arith.constant 288 : index
      %get3A_361 = tpu.vector_load %arg6[%get3A_359, %get3A_360] {strides = array<i32>} : memref<7x512xf32, #tpu.memory_space<vmem>>, vector<16xf32>,
      %mul3A_362 = vector.broadcast %scan3A_200 : f32 to vector<16xf32>
      %mul3A_363 = arith.mulf %get3A_361, %mul3A_362 : vector<16xf32>
      %swap3A_364 = arith.index_cast %scan3A_216 : i32 to index
      %swap3A_365 = arith.constant 288 : index
      %swap3A_366 = tpu.vector_load %arg6[%swap3A_364, %swap3A_365] {strides = array<i32>} : memref<7x512xf32, #tpu.memory_space<vmem>>, vector<16xf32>,
      tpu.vector_store %arg6[%swap3A_364, %swap3A_365], %mul3A_363 {strides = array<i32>} : memref<7x512xf32, #tpu.memory_space<vmem>>, vector<16xf32>,
      %get3A_367 = arith.index_cast %scan3A_216 : i32 to index
      %get3A_368 = arith.constant 304 : index
      %get3A_369 = tpu.vector_load %arg6[%get3A_367, %get3A_368] {strides = array<i32>} : memref<7x512xf32, #tpu.memory_space<vmem>>, vector<16xf32>,
      %mul3A_370 = vector.broadcast %scan3A_200 : f32 to vector<16xf32>
      %mul3A_371 = arith.mulf %get3A_369, %mul3A_370 : vector<16xf32>
      %swap3A_372 = arith.index_cast %scan3A_216 : i32 to index
      %swap3A_373 = arith.constant 304 : index
      %swap3A_374 = tpu.vector_load %arg6[%swap3A_372, %swap3A_373] {strides = array<i32>} : memref<7x512xf32, #tpu.memory_space<vmem>>, vector<16xf32>,
      tpu.vector_store %arg6[%swap3A_372, %swap3A_373], %mul3A_371 {strides = array<i32>} : memref<7x512xf32, #tpu.memory_space<vmem>>, vector<16xf32>,
      %get3A_375 = arith.index_cast %scan3A_216 : i32 to index
      %get3A_376 = arith.constant 320 : index
      %get3A_377 = tpu.vector_load %arg6[%get3A_375, %get3A_376] {strides = array<i32>} : memref<7x512xf32, #tpu.memory_space<vmem>>, vector<16xf32>,
      %mul3A_378 = vector.broadcast %scan3A_200 : f32 to vector<16xf32>
      %mul3A_379 = arith.mulf %get3A_377, %mul3A_378 : vector<16xf32>
      %swap3A_380 = arith.index_cast %scan3A_216 : i32 to index
      %swap3A_381 = arith.constant 320 : index
      %swap3A_382 = tpu.vector_load %arg6[%swap3A_380, %swap3A_381] {strides = array<i32>} : memref<7x512xf32, #tpu.memory_space<vmem>>, vector<16xf32>,
      tpu.vector_store %arg6[%swap3A_380, %swap3A_381], %mul3A_379 {strides = array<i32>} : memref<7x512xf32, #tpu.memory_space<vmem>>, vector<16xf32>,
      %get3A_383 = arith.index_cast %scan3A_216 : i32 to index
      %get3A_384 = arith.constant 336 : index
      %get3A_385 = tpu.vector_load %arg6[%get3A_383, %get3A_384] {strides = array<i32>} : memref<7x512xf32, #tpu.memory_space<vmem>>, vector<16xf32>,
      %mul3A_386 = vector.broadcast %scan3A_200 : f32 to vector<16xf32>
      %mul3A_387 = arith.mulf %get3A_385, %mul3A_386 : vector<16xf32>
      %swap3A_388 = arith.index_cast %scan3A_216 : i32 to index
      %swap3A_389 = arith.constant 336 : index
      %swap3A_390 = tpu.vector_load %arg6[%swap3A_388, %swap3A_389] {strides = array<i32>} : memref<7x512xf32, #tpu.memory_space<vmem>>, vector<16xf32>,
      tpu.vector_store %arg6[%swap3A_388, %swap3A_389], %mul3A_387 {strides = array<i32>} : memref<7x512xf32, #tpu.memory_space<vmem>>, vector<16xf32>,
      %get3A_391 = arith.index_cast %scan3A_216 : i32 to index
      %get3A_392 = arith.constant 352 : index
      %get3A_393 = tpu.vector_load %arg6[%get3A_391, %get3A_392] {strides = array<i32>} : memref<7x512xf32, #tpu.memory_space<vmem>>, vector<16xf32>,
      %mul3A_394 = vector.broadcast %scan3A_200 : f32 to vector<16xf32>
      %mul3A_395 = arith.mulf %get3A_393, %mul3A_394 : vector<16xf32>
      %swap3A_396 = arith.index_cast %scan3A_216 : i32 to index
      %swap3A_397 = arith.constant 352 : index
      %swap3A_398 = tpu.vector_load %arg6[%swap3A_396, %swap3A_397] {strides = array<i32>} : memref<7x512xf32, #tpu.memory_space<vmem>>, vector<16xf32>,
      tpu.vector_store %arg6[%swap3A_396, %swap3A_397], %mul3A_395 {strides = array<i32>} : memref<7x512xf32, #tpu.memory_space<vmem>>, vector<16xf32>,
      %get3A_399 = arith.index_cast %scan3A_216 : i32 to index
      %get3A_400 = arith.constant 368 : index
      %get3A_401 = tpu.vector_load %arg6[%get3A_399, %get3A_400] {strides = array<i32>} : memref<7x512xf32, #tpu.memory_space<vmem>>, vector<16xf32>,
      %mul3A_402 = vector.broadcast %scan3A_200 : f32 to vector<16xf32>
      %mul3A_403 = arith.mulf %get3A_401, %mul3A_402 : vector<16xf32>
      %swap3A_404 = arith.index_cast %scan3A_216 : i32 to index
      %swap3A_405 = arith.constant 368 : index
      %swap3A_406 = tpu.vector_load %arg6[%swap3A_404, %swap3A_405] {strides = array<i32>} : memref<7x512xf32, #tpu.memory_space<vmem>>, vector<16xf32>,
      tpu.vector_store %arg6[%swap3A_404, %swap3A_405], %mul3A_403 {strides = array<i32>} : memref<7x512xf32, #tpu.memory_space<vmem>>, vector<16xf32>,
      %get3A_407 = arith.index_cast %scan3A_216 : i32 to index
      %get3A_408 = arith.constant 384 : index
      %get3A_409 = tpu.vector_load %arg6[%get3A_407, %get3A_408] {strides = array<i32>} : memref<7x512xf32, #tpu.memory_space<vmem>>, vector<16xf32>,
      %mul3A_410 = vector.broadcast %scan3A_200 : f32 to vector<16xf32>
      %mul3A_411 = arith.mulf %get3A_409, %mul3A_410 : vector<16xf32>
      %swap3A_412 = arith.index_cast %scan3A_216 : i32 to index
      %swap3A_413 = arith.constant 384 : index
      %swap3A_414 = tpu.vector_load %arg6[%swap3A_412, %swap3A_413] {strides = array<i32>} : memref<7x512xf32, #tpu.memory_space<vmem>>, vector<16xf32>,
      tpu.vector_store %arg6[%swap3A_412, %swap3A_413], %mul3A_411 {strides = array<i32>} : memref<7x512xf32, #tpu.memory_space<vmem>>, vector<16xf32>,
      %get3A_415 = arith.index_cast %scan3A_216 : i32 to index
      %get3A_416 = arith.constant 400 : index
      %get3A_417 = tpu.vector_load %arg6[%get3A_415, %get3A_416] {strides = array<i32>} : memref<7x512xf32, #tpu.memory_space<vmem>>, vector<16xf32>,
      %mul3A_418 = vector.broadcast %scan3A_200 : f32 to vector<16xf32>
      %mul3A_419 = arith.mulf %get3A_417, %mul3A_418 : vector<16xf32>
      %swap3A_420 = arith.index_cast %scan3A_216 : i32 to index
      %swap3A_421 = arith.constant 400 : index
      %swap3A_422 = tpu.vector_load %arg6[%swap3A_420, %swap3A_421] {strides = array<i32>} : memref<7x512xf32, #tpu.memory_space<vmem>>, vector<16xf32>,
      tpu.vector_store %arg6[%swap3A_420, %swap3A_421], %mul3A_419 {strides = array<i32>} : memref<7x512xf32, #tpu.memory_space<vmem>>, vector<16xf32>,
      %get3A_423 = arith.index_cast %scan3A_216 : i32 to index
      %get3A_424 = arith.constant 416 : index
      %get3A_425 = tpu.vector_load %arg6[%get3A_423, %get3A_424] {strides = array<i32>} : memref<7x512xf32, #tpu.memory_space<vmem>>, vector<16xf32>,
      %mul3A_426 = vector.broadcast %scan3A_200 : f32 to vector<16xf32>
      %mul3A_427 = arith.mulf %get3A_425, %mul3A_426 : vector<16xf32>
      %swap3A_428 = arith.index_cast %scan3A_216 : i32 to index
      %swap3A_429 = arith.constant 416 : index
      %swap3A_430 = tpu.vector_load %arg6[%swap3A_428, %swap3A_429] {strides = array<i32>} : memref<7x512xf32, #tpu.memory_space<vmem>>, vector<16xf32>,
      tpu.vector_store %arg6[%swap3A_428, %swap3A_429], %mul3A_427 {strides = array<i32>} : memref<7x512xf32, #tpu.memory_space<vmem>>, vector<16xf32>,
      %get3A_431 = arith.index_cast %scan3A_216 : i32 to index
      %get3A_432 = arith.constant 432 : index
      %get3A_433 = tpu.vector_load %arg6[%get3A_431, %get3A_432] {strides = array<i32>} : memref<7x512xf32, #tpu.memory_space<vmem>>, vector<16xf32>,
      %mul3A_434 = vector.broadcast %scan3A_200 : f32 to vector<16xf32>
      %mul3A_435 = arith.mulf %get3A_433, %mul3A_434 : vector<16xf32>
      %swap3A_436 = arith.index_cast %scan3A_216 : i32 to index
      %swap3A_437 = arith.constant 432 : index
      %swap3A_438 = tpu.vector_load %arg6[%swap3A_436, %swap3A_437] {strides = array<i32>} : memref<7x512xf32, #tpu.memory_space<vmem>>, vector<16xf32>,
      tpu.vector_store %arg6[%swap3A_436, %swap3A_437], %mul3A_435 {strides = array<i32>} : memref<7x512xf32, #tpu.memory_space<vmem>>, vector<16xf32>,
      %get3A_439 = arith.index_cast %scan3A_216 : i32 to index
      %get3A_440 = arith.constant 448 : index
      %get3A_441 = tpu.vector_load %arg6[%get3A_439, %get3A_440] {strides = array<i32>} : memref<7x512xf32, #tpu.memory_space<vmem>>, vector<16xf32>,
      %mul3A_442 = vector.broadcast %scan3A_200 : f32 to vector<16xf32>
      %mul3A_443 = arith.mulf %get3A_441, %mul3A_442 : vector<16xf32>
      %swap3A_444 = arith.index_cast %scan3A_216 : i32 to index
      %swap3A_445 = arith.constant 448 : index
      %swap3A_446 = tpu.vector_load %arg6[%swap3A_444, %swap3A_445] {strides = array<i32>} : memref<7x512xf32, #tpu.memory_space<vmem>>, vector<16xf32>,
      tpu.vector_store %arg6[%swap3A_444, %swap3A_445], %mul3A_443 {strides = array<i32>} : memref<7x512xf32, #tpu.memory_space<vmem>>, vector<16xf32>,
      %get3A_447 = arith.index_cast %scan3A_216 : i32 to index
      %get3A_448 = arith.constant 464 : index
      %get3A_449 = tpu.vector_load %arg6[%get3A_447, %get3A_448] {strides = array<i32>} : memref<7x512xf32, #tpu.memory_space<vmem>>, vector<16xf32>,
      %mul3A_450 = vector.broadcast %scan3A_200 : f32 to vector<16xf32>
      %mul3A_451 = arith.mulf %get3A_449, %mul3A_450 : vector<16xf32>
      %swap3A_452 = arith.index_cast %scan3A_216 : i32 to index
      %swap3A_453 = arith.constant 464 : index
      %swap3A_454 = tpu.vector_load %arg6[%swap3A_452, %swap3A_453] {strides = array<i32>} : memref<7x512xf32, #tpu.memory_space<vmem>>, vector<16xf32>,
      tpu.vector_store %arg6[%swap3A_452, %swap3A_453], %mul3A_451 {strides = array<i32>} : memref<7x512xf32, #tpu.memory_space<vmem>>, vector<16xf32>,
      %get3A_455 = arith.index_cast %scan3A_216 : i32 to index
      %get3A_456 = arith.constant 480 : index
      %get3A_457 = tpu.vector_load %arg6[%get3A_455, %get3A_456] {strides = array<i32>} : memref<7x512xf32, #tpu.memory_space<vmem>>, vector<16xf32>,
      %mul3A_458 = vector.broadcast %scan3A_200 : f32 to vector<16xf32>
      %mul3A_459 = arith.mulf %get3A_457, %mul3A_458 : vector<16xf32>
      %swap3A_460 = arith.index_cast %scan3A_216 : i32 to index
      %swap3A_461 = arith.constant 480 : index
      %swap3A_462 = tpu.vector_load %arg6[%swap3A_460, %swap3A_461] {strides = array<i32>} : memref<7x512xf32, #tpu.memory_space<vmem>>, vector<16xf32>,
      tpu.vector_store %arg6[%swap3A_460, %swap3A_461], %mul3A_459 {strides = array<i32>} : memref<7x512xf32, #tpu.memory_space<vmem>>, vector<16xf32>,
      %get3A_463 = arith.index_cast %scan3A_216 : i32 to index
      %get3A_464 = arith.constant 496 : index
      %get3A_465 = tpu.vector_load %arg6[%get3A_463, %get3A_464] {strides = array<i32>} : memref<7x512xf32, #tpu.memory_space<vmem>>, vector<16xf32>,
      %mul3A_466 = vector.broadcast %scan3A_200 : f32 to vector<16xf32>
      %mul3A_467 = arith.mulf %get3A_465, %mul3A_466 : vector<16xf32>
      %swap3A_468 = arith.index_cast %scan3A_216 : i32 to index
      %swap3A_469 = arith.constant 496 : index
      %swap3A_470 = tpu.vector_load %arg6[%swap3A_468, %swap3A_469] {strides = array<i32>} : memref<7x512xf32, #tpu.memory_space<vmem>>, vector<16xf32>,
      tpu.vector_store %arg6[%swap3A_468, %swap3A_469], %mul3A_467 {strides = array<i32>} : memref<7x512xf32, #tpu.memory_space<vmem>>, vector<16xf32>,
    }
    %scan3A_205 = arith.constant 7 : i32
    %iota3A = tpu.iota {dimensions = array<i32: 0>} : vector<16xi32>
    %scan3A_206 = arith.constant 0 : i32
    %scan3A_207 = arith.constant 0 : i32
    %scan3A_208 = arith.constant 32 : i32
    %scan3A_209 = arith.addi %scan3A_207, %scan3A_208 : i32
    %scan3A_210 = arith.constant 4 : i32
    scf.for %scan3A_216 = %scan3A_207 to %scan3A_209 step %scan3A_210  : i32 {
      %jit3A = arith.constant 16 : i32
      %div3A = arith.divsi %scan3A_216, %jit3A : i32
      %sign3A = arith.constant 0 : i32
      %sign3A_217 = arith.cmpi sgt, %scan3A_216, %sign3A : i32
      %sign3A_218 = arith.extui %sign3A_217 : i1 to i32
      %sign3A_219 = arith.constant 0 : i32
      %sign3A_220 = arith.cmpi slt, %scan3A_216, %sign3A_219 : i32
      %sign3A_221 = arith.extui %sign3A_220 : i1 to i32
      %sign3A_222 = arith.subi %sign3A_218, %sign3A_221 : i32
      %sign3A_223 = arith.constant 0 : i32
      %sign3A_224 = arith.cmpi sgt, %jit3A, %sign3A_223 : i32
      %sign3A_225 = arith.extui %sign3A_224 : i1 to i32
      %sign3A_226 = arith.constant 0 : i32
      %sign3A_227 = arith.cmpi slt, %jit3A, %sign3A_226 : i32
      %sign3A_228 = arith.extui %sign3A_227 : i1 to i32
      %sign3A_229 = arith.subi %sign3A_225, %sign3A_228 : i32
      %ne3A = arith.cmpi ne, %sign3A_222, %sign3A_229 : i32
      %rem3A_230 = arith.remsi %scan3A_216, %jit3A : i32
      %ne3A_231 = arith.constant 0 : i32
      %ne3A_232 = arith.cmpi ne, %rem3A_230, %ne3A_231 : i32
      %and3A = arith.andi %ne3A, %ne3A_232 : i1
      %sub3A = arith.constant 1 : i32
      %sub3A_233 = arith.subi %div3A, %sub3A : i32
      %select_n3A = arith.select %and3A, %sub3A_233, %div3A : i32
      %mul3A_234 = arith.constant 16 : i32
      %mul3A_235 = arith.muli %select_n3A, %mul3A_234 : i32
      %get3A = arith.index_cast %mul3A_235 : i32 to index
      %get3A_236 = tpu.vector_load %arg5[%get3A] {strides = array<i32>} : memref<32xi32, #tpu.memory_space<vmem>>, vector<16xi32>,
      %rem3A_237 = arith.constant 16 : i32
      %rem3A_238 = arith.remsi %scan3A_216, %rem3A_237 : i32
      %eq3A = vector.broadcast %rem3A_238 : i32 to vector<16xi32>
      %eq3A_239 = arith.cmpi eq, %iota3A, %eq3A : vector<16xi32>
      %jit3A_240 = arith.constant 0 : i32
      %broadcast_in_dim3A = vector.broadcast %jit3A_240 : i32 to vector<16xi32>
      %select_n3A_241 = arith.select %eq3A_239, %get3A_236, %broadcast_in_dim3A : vector<16xi1>, vector<16xi32>
      %reduce_sum3A = arith.constant true
      %reduce_sum3A_242 = vector.broadcast %reduce_sum3A : i1 to vector<16xi1>
      %reduce_sum3A_243 = tpu.scan <sum>, %select_n3A_241 masked %reduce_sum3A_242 : vector<16xi32>, vector<16xi1> -> vector<16xi32>
      %reduce_sum3A_244 = vector.extract %reduce_sum3A_243[15] : i32 from vector<16xi32>
      %add3A_245 = arith.addi %mul3A_2, %scan3A_216 : i32
      %dma_start3A_246 = arith.constant 0 : i32
      %dma_start3A_247 = tpu.memref_slice %arg6[%reduce_sum3A_244, %dma_start3A_246] : memref<7x512xf32, #tpu.memory_space<vmem>> -> memref<1x512xf32, #tpu.memory_space<vmem>>
      %dma_start3A_248 = tpu.memref_squeeze %dma_start3A_247 : memref<1x512xf32, #tpu.memory_space<vmem>> -> memref<512xf32, #tpu.memory_space<vmem>>
      %dma_start3A_249 = arith.constant 0 : i32
      %dma_start3A_250 = tpu.memref_slice %arg4[%add3A_245, %dma_start3A_249] : memref<1024x512xf32, #tpu.memory_space<hbm>> -> memref<1x512xf32, #tpu.memory_space<hbm>>
      %dma_start3A_251 = tpu.memref_squeeze %dma_start3A_250 : memref<1x512xf32, #tpu.memory_space<hbm>> -> memref<512xf32, #tpu.memory_space<hbm>>
      %dma_start3A_252 = arith.constant 0 : i32
      %dma_start3A_253 = tpu.memref_slice %arg4[%add3A_245, %dma_start3A_252] : memref<1024x512xf32, #tpu.memory_space<hbm>> -> memref<1x512xf32, #tpu.memory_space<hbm>>
      %dma_start3A_254 = tpu.memref_squeeze %dma_start3A_253 : memref<1x512xf32, #tpu.memory_space<hbm>> -> memref<512xf32, #tpu.memory_space<hbm>>
      %dma_start3A_255 = arith.constant 0 : i32
      %dma_start3A_256 = tpu.memref_slice %arg6[%reduce_sum3A_244, %dma_start3A_255] : memref<7x512xf32, #tpu.memory_space<vmem>> -> memref<1x512xf32, #tpu.memory_space<vmem>>
      %dma_start3A_257 = tpu.memref_squeeze %dma_start3A_256 : memref<1x512xf32, #tpu.memory_space<vmem>> -> memref<512xf32, #tpu.memory_space<vmem>>
      tpu.enqueue_dma source(%dma_start3A_257 : memref<512xf32, #tpu.memory_space<vmem>>) target(%dma_start3A_254 : memref<512xf32, #tpu.memory_space<hbm>>) target_semaphore(%arg8 : memref<!tpu.dma_semaphore, #tpu.memory_space<semaphore_mem>>)
      %scan3A_258 = arith.constant 1 : i32
      %scan3A_259 = arith.addi %scan3A_216, %scan3A_258 : i32
      %jit3A_260 = arith.constant 16 : i32
      %div3A_261 = arith.divsi %scan3A_259, %jit3A_260 : i32
      %sign3A_262 = arith.constant 0 : i32
      %sign3A_263 = arith.cmpi sgt, %scan3A_259, %sign3A_262 : i32
      %sign3A_264 = arith.extui %sign3A_263 : i1 to i32
      %sign3A_265 = arith.constant 0 : i32
      %sign3A_266 = arith.cmpi slt, %scan3A_259, %sign3A_265 : i32
      %sign3A_267 = arith.extui %sign3A_266 : i1 to i32
      %sign3A_268 = arith.subi %sign3A_264, %sign3A_267 : i32
      %sign3A_269 = arith.constant 0 : i32
      %sign3A_270 = arith.cmpi sgt, %jit3A_260, %sign3A_269 : i32
      %sign3A_271 = arith.extui %sign3A_270 : i1 to i32
      %sign3A_272 = arith.constant 0 : i32
      %sign3A_273 = arith.cmpi slt, %jit3A_260, %sign3A_272 : i32
      %sign3A_274 = arith.extui %sign3A_273 : i1 to i32
      %sign3A_275 = arith.subi %sign3A_271, %sign3A_274 : i32
      %ne3A_276 = arith.cmpi ne, %sign3A_268, %sign3A_275 : i32
      %rem3A_277 = arith.remsi %scan3A_259, %jit3A_260 : i32
      %ne3A_278 = arith.constant 0 : i32
      %ne3A_279 = arith.cmpi ne, %rem3A_277, %ne3A_278 : i32
      %and3A_280 = arith.andi %ne3A_276, %ne3A_279 : i1
      %sub3A_281 = arith.constant 1 : i32
      %sub3A_282 = arith.subi %div3A_261, %sub3A_281 : i32
      %select_n3A_283 = arith.select %and3A_280, %sub3A_282, %div3A_261 : i32
      %mul3A_284 = arith.constant 16 : i32
      %mul3A_285 = arith.muli %select_n3A_283, %mul3A_284 : i32
      %get3A_286 = arith.index_cast %mul3A_285 : i32 to index
      %get3A_287 = tpu.vector_load %arg5[%get3A_286] {strides = array<i32>} : memref<32xi32, #tpu.memory_space<vmem>>, vector<16xi32>,
      %rem3A_288 = arith.constant 16 : i32
      %rem3A_289 = arith.remsi %scan3A_259, %rem3A_288 : i32
      %eq3A_290 = vector.broadcast %rem3A_289 : i32 to vector<16xi32>
      %eq3A_291 = arith.cmpi eq, %iota3A, %eq3A_290 : vector<16xi32>
      %jit3A_292 = arith.constant 0 : i32
      %broadcast_in_dim3A_293 = vector.broadcast %jit3A_292 : i32 to vector<16xi32>
      %select_n3A_294 = arith.select %eq3A_291, %get3A_287, %broadcast_in_dim3A_293 : vector<16xi1>, vector<16xi32>
      %reduce_sum3A_295 = arith.constant true
      %reduce_sum3A_296 = vector.broadcast %reduce_sum3A_295 : i1 to vector<16xi1>
      %reduce_sum3A_297 = tpu.scan <sum>, %select_n3A_294 masked %reduce_sum3A_296 : vector<16xi32>, vector<16xi1> -> vector<16xi32>
      %reduce_sum3A_298 = vector.extract %reduce_sum3A_297[15] : i32 from vector<16xi32>
      %add3A_299 = arith.addi %mul3A_2, %scan3A_259 : i32
      %dma_start3A_300 = arith.constant 0 : i32
      %dma_start3A_301 = tpu.memref_slice %arg6[%reduce_sum3A_298, %dma_start3A_300] : memref<7x512xf32, #tpu.memory_space<vmem>> -> memref<1x512xf32, #tpu.memory_space<vmem>>
      %dma_start3A_302 = tpu.memref_squeeze %dma_start3A_301 : memref<1x512xf32, #tpu.memory_space<vmem>> -> memref<512xf32, #tpu.memory_space<vmem>>
      %dma_start3A_303 = arith.constant 0 : i32
      %dma_start3A_304 = tpu.memref_slice %arg4[%add3A_299, %dma_start3A_303] : memref<1024x512xf32, #tpu.memory_space<hbm>> -> memref<1x512xf32, #tpu.memory_space<hbm>>
      %dma_start3A_305 = tpu.memref_squeeze %dma_start3A_304 : memref<1x512xf32, #tpu.memory_space<hbm>> -> memref<512xf32, #tpu.memory_space<hbm>>
      %dma_start3A_306 = arith.constant 0 : i32
      %dma_start3A_307 = tpu.memref_slice %arg4[%add3A_299, %dma_start3A_306] : memref<1024x512xf32, #tpu.memory_space<hbm>> -> memref<1x512xf32, #tpu.memory_space<hbm>>
      %dma_start3A_308 = tpu.memref_squeeze %dma_start3A_307 : memref<1x512xf32, #tpu.memory_space<hbm>> -> memref<512xf32, #tpu.memory_space<hbm>>
      %dma_start3A_309 = arith.constant 0 : i32
      %dma_start3A_310 = tpu.memref_slice %arg6[%reduce_sum3A_298, %dma_start3A_309] : memref<7x512xf32, #tpu.memory_space<vmem>> -> memref<1x512xf32, #tpu.memory_space<vmem>>
      %dma_start3A_311 = tpu.memref_squeeze %dma_start3A_310 : memref<1x512xf32, #tpu.memory_space<vmem>> -> memref<512xf32, #tpu.memory_space<vmem>>
      tpu.enqueue_dma source(%dma_start3A_311 : memref<512xf32, #tpu.memory_space<vmem>>) target(%dma_start3A_308 : memref<512xf32, #tpu.memory_space<hbm>>) target_semaphore(%arg8 : memref<!tpu.dma_semaphore, #tpu.memory_space<semaphore_mem>>)
      %scan3A_312 = arith.constant 2 : i32
      %scan3A_313 = arith.addi %scan3A_216, %scan3A_312 : i32
      %jit3A_314 = arith.constant 16 : i32
      %div3A_315 = arith.divsi %scan3A_313, %jit3A_314 : i32
      %sign3A_316 = arith.constant 0 : i32
      %sign3A_317 = arith.cmpi sgt, %scan3A_313, %sign3A_316 : i32
      %sign3A_318 = arith.extui %sign3A_317 : i1 to i32
      %sign3A_319 = arith.constant 0 : i32
      %sign3A_320 = arith.cmpi slt, %scan3A_313, %sign3A_319 : i32
      %sign3A_321 = arith.extui %sign3A_320 : i1 to i32
      %sign3A_322 = arith.subi %sign3A_318, %sign3A_321 : i32
      %sign3A_323 = arith.constant 0 : i32
      %sign3A_324 = arith.cmpi sgt, %jit3A_314, %sign3A_323 : i32
      %sign3A_325 = arith.extui %sign3A_324 : i1 to i32
      %sign3A_326 = arith.constant 0 : i32
      %sign3A_327 = arith.cmpi slt, %jit3A_314, %sign3A_326 : i32
      %sign3A_328 = arith.extui %sign3A_327 : i1 to i32
      %sign3A_329 = arith.subi %sign3A_325, %sign3A_328 : i32
      %ne3A_330 = arith.cmpi ne, %sign3A_322, %sign3A_329 : i32
      %rem3A_331 = arith.remsi %scan3A_313, %jit3A_314 : i32
      %ne3A_332 = arith.constant 0 : i32
      %ne3A_333 = arith.cmpi ne, %rem3A_331, %ne3A_332 : i32
      %and3A_334 = arith.andi %ne3A_330, %ne3A_333 : i1
      %sub3A_335 = arith.constant 1 : i32
      %sub3A_336 = arith.subi %div3A_315, %sub3A_335 : i32
      %select_n3A_337 = arith.select %and3A_334, %sub3A_336, %div3A_315 : i32
      %mul3A_338 = arith.constant 16 : i32
      %mul3A_339 = arith.muli %select_n3A_337, %mul3A_338 : i32
      %get3A_340 = arith.index_cast %mul3A_339 : i32 to index
      %get3A_341 = tpu.vector_load %arg5[%get3A_340] {strides = array<i32>} : memref<32xi32, #tpu.memory_space<vmem>>, vector<16xi32>,
      %rem3A_342 = arith.constant 16 : i32
      %rem3A_343 = arith.remsi %scan3A_313, %rem3A_342 : i32
      %eq3A_344 = vector.broadcast %rem3A_343 : i32 to vector<16xi32>
      %eq3A_345 = arith.cmpi eq, %iota3A, %eq3A_344 : vector<16xi32>
      %jit3A_346 = arith.constant 0 : i32
      %broadcast_in_dim3A_347 = vector.broadcast %jit3A_346 : i32 to vector<16xi32>
      %select_n3A_348 = arith.select %eq3A_345, %get3A_341, %broadcast_in_dim3A_347 : vector<16xi1>, vector<16xi32>
      %reduce_sum3A_349 = arith.constant true
      %reduce_sum3A_350 = vector.broadcast %reduce_sum3A_349 : i1 to vector<16xi1>
      %reduce_sum3A_351 = tpu.scan <sum>, %select_n3A_348 masked %reduce_sum3A_350 : vector<16xi32>, vector<16xi1> -> vector<16xi32>
      %reduce_sum3A_352 = vector.extract %reduce_sum3A_351[15] : i32 from vector<16xi32>
      %add3A_353 = arith.addi %mul3A_2, %scan3A_313 : i32
      %dma_start3A_354 = arith.constant 0 : i32
      %dma_start3A_355 = tpu.memref_slice %arg6[%reduce_sum3A_352, %dma_start3A_354] : memref<7x512xf32, #tpu.memory_space<vmem>> -> memref<1x512xf32, #tpu.memory_space<vmem>>
      %dma_start3A_356 = tpu.memref_squeeze %dma_start3A_355 : memref<1x512xf32, #tpu.memory_space<vmem>> -> memref<512xf32, #tpu.memory_space<vmem>>
      %dma_start3A_357 = arith.constant 0 : i32
      %dma_start3A_358 = tpu.memref_slice %arg4[%add3A_353, %dma_start3A_357] : memref<1024x512xf32, #tpu.memory_space<hbm>> -> memref<1x512xf32, #tpu.memory_space<hbm>>
      %dma_start3A_359 = tpu.memref_squeeze %dma_start3A_358 : memref<1x512xf32, #tpu.memory_space<hbm>> -> memref<512xf32, #tpu.memory_space<hbm>>
      %dma_start3A_360 = arith.constant 0 : i32
      %dma_start3A_361 = tpu.memref_slice %arg4[%add3A_353, %dma_start3A_360] : memref<1024x512xf32, #tpu.memory_space<hbm>> -> memref<1x512xf32, #tpu.memory_space<hbm>>
      %dma_start3A_362 = tpu.memref_squeeze %dma_start3A_361 : memref<1x512xf32, #tpu.memory_space<hbm>> -> memref<512xf32, #tpu.memory_space<hbm>>
      %dma_start3A_363 = arith.constant 0 : i32
      %dma_start3A_364 = tpu.memref_slice %arg6[%reduce_sum3A_352, %dma_start3A_363] : memref<7x512xf32, #tpu.memory_space<vmem>> -> memref<1x512xf32, #tpu.memory_space<vmem>>
      %dma_start3A_365 = tpu.memref_squeeze %dma_start3A_364 : memref<1x512xf32, #tpu.memory_space<vmem>> -> memref<512xf32, #tpu.memory_space<vmem>>
      tpu.enqueue_dma source(%dma_start3A_365 : memref<512xf32, #tpu.memory_space<vmem>>) target(%dma_start3A_362 : memref<512xf32, #tpu.memory_space<hbm>>) target_semaphore(%arg8 : memref<!tpu.dma_semaphore, #tpu.memory_space<semaphore_mem>>)
      %scan3A_366 = arith.constant 3 : i32
      %scan3A_367 = arith.addi %scan3A_216, %scan3A_366 : i32
      %jit3A_368 = arith.constant 16 : i32
      %div3A_369 = arith.divsi %scan3A_367, %jit3A_368 : i32
      %sign3A_370 = arith.constant 0 : i32
      %sign3A_371 = arith.cmpi sgt, %scan3A_367, %sign3A_370 : i32
      %sign3A_372 = arith.extui %sign3A_371 : i1 to i32
      %sign3A_373 = arith.constant 0 : i32
      %sign3A_374 = arith.cmpi slt, %scan3A_367, %sign3A_373 : i32
      %sign3A_375 = arith.extui %sign3A_374 : i1 to i32
      %sign3A_376 = arith.subi %sign3A_372, %sign3A_375 : i32
      %sign3A_377 = arith.constant 0 : i32
      %sign3A_378 = arith.cmpi sgt, %jit3A_368, %sign3A_377 : i32
      %sign3A_379 = arith.extui %sign3A_378 : i1 to i32
      %sign3A_380 = arith.constant 0 : i32
      %sign3A_381 = arith.cmpi slt, %jit3A_368, %sign3A_380 : i32
      %sign3A_382 = arith.extui %sign3A_381 : i1 to i32
      %sign3A_383 = arith.subi %sign3A_379, %sign3A_382 : i32
      %ne3A_384 = arith.cmpi ne, %sign3A_376, %sign3A_383 : i32
      %rem3A_385 = arith.remsi %scan3A_367, %jit3A_368 : i32
      %ne3A_386 = arith.constant 0 : i32
      %ne3A_387 = arith.cmpi ne, %rem3A_385, %ne3A_386 : i32
      %and3A_388 = arith.andi %ne3A_384, %ne3A_387 : i1
      %sub3A_389 = arith.constant 1 : i32
      %sub3A_390 = arith.subi %div3A_369, %sub3A_389 : i32
      %select_n3A_391 = arith.select %and3A_388, %sub3A_390, %div3A_369 : i32
      %mul3A_392 = arith.constant 16 : i32
      %mul3A_393 = arith.muli %select_n3A_391, %mul3A_392 : i32
      %get3A_394 = arith.index_cast %mul3A_393 : i32 to index
      %get3A_395 = tpu.vector_load %arg5[%get3A_394] {strides = array<i32>} : memref<32xi32, #tpu.memory_space<vmem>>, vector<16xi32>,
      %rem3A_396 = arith.constant 16 : i32
      %rem3A_397 = arith.remsi %scan3A_367, %rem3A_396 : i32
      %eq3A_398 = vector.broadcast %rem3A_397 : i32 to vector<16xi32>
      %eq3A_399 = arith.cmpi eq, %iota3A, %eq3A_398 : vector<16xi32>
      %jit3A_400 = arith.constant 0 : i32
      %broadcast_in_dim3A_401 = vector.broadcast %jit3A_400 : i32 to vector<16xi32>
      %select_n3A_402 = arith.select %eq3A_399, %get3A_395, %broadcast_in_dim3A_401 : vector<16xi1>, vector<16xi32>
      %reduce_sum3A_403 = arith.constant true
      %reduce_sum3A_404 = vector.broadcast %reduce_sum3A_403 : i1 to vector<16xi1>
      %reduce_sum3A_405 = tpu.scan <sum>, %select_n3A_402 masked %reduce_sum3A_404 : vector<16xi32>, vector<16xi1> -> vector<16xi32>
      %reduce_sum3A_406 = vector.extract %reduce_sum3A_405[15] : i32 from vector<16xi32>
      %add3A_407 = arith.addi %mul3A_2, %scan3A_367 : i32
      %dma_start3A_408 = arith.constant 0 : i32
      %dma_start3A_409 = tpu.memref_slice %arg6[%reduce_sum3A_406, %dma_start3A_408] : memref<7x512xf32, #tpu.memory_space<vmem>> -> memref<1x512xf32, #tpu.memory_space<vmem>>
      %dma_start3A_410 = tpu.memref_squeeze %dma_start3A_409 : memref<1x512xf32, #tpu.memory_space<vmem>> -> memref<512xf32, #tpu.memory_space<vmem>>
      %dma_start3A_411 = arith.constant 0 : i32
      %dma_start3A_412 = tpu.memref_slice %arg4[%add3A_407, %dma_start3A_411] : memref<1024x512xf32, #tpu.memory_space<hbm>> -> memref<1x512xf32, #tpu.memory_space<hbm>>
      %dma_start3A_413 = tpu.memref_squeeze %dma_start3A_412 : memref<1x512xf32, #tpu.memory_space<hbm>> -> memref<512xf32, #tpu.memory_space<hbm>>
      %dma_start3A_414 = arith.constant 0 : i32
      %dma_start3A_415 = tpu.memref_slice %arg4[%add3A_407, %dma_start3A_414] : memref<1024x512xf32, #tpu.memory_space<hbm>> -> memref<1x512xf32, #tpu.memory_space<hbm>>
      %dma_start3A_416 = tpu.memref_squeeze %dma_start3A_415 : memref<1x512xf32, #tpu.memory_space<hbm>> -> memref<512xf32, #tpu.memory_space<hbm>>
      %dma_start3A_417 = arith.constant 0 : i32
      %dma_start3A_418 = tpu.memref_slice %arg6[%reduce_sum3A_406, %dma_start3A_417] : memref<7x512xf32, #tpu.memory_space<vmem>> -> memref<1x512xf32, #tpu.memory_space<vmem>>
      %dma_start3A_419 = tpu.memref_squeeze %dma_start3A_418 : memref<1x512xf32, #tpu.memory_space<vmem>> -> memref<512xf32, #tpu.memory_space<vmem>>
      tpu.enqueue_dma source(%dma_start3A_419 : memref<512xf32, #tpu.memory_space<vmem>>) target(%dma_start3A_416 : memref<512xf32, #tpu.memory_space<hbm>>) target_semaphore(%arg8 : memref<!tpu.dma_semaphore, #tpu.memory_space<semaphore_mem>>)
    }
    %scan3A_211 = arith.constant 32 : i32
    %dma_wait3A_212 = arith.constant 0 : i32
    %dma_wait3A_213 = tpu.memref_slice %arg4[%mul3A_2, %dma_wait3A_212] : memref<1024x512xf32, #tpu.memory_space<hbm>> -> memref<32x512xf32, #tpu.memory_space<hbm>>
    %dma_wait3A_214 = arith.constant 0 : i32
    %dma_wait3A_215 = tpu.memref_slice %arg4[%mul3A_2, %dma_wait3A_214] : memref<1024x512xf32, #tpu.memory_space<hbm>> -> memref<32x512xf32, #tpu.memory_space<hbm>>
    tpu.wait_dma2 semaphore(%arg8 : memref<!tpu.dma_semaphore, #tpu.memory_space<semaphore_mem>>) src(%dma_wait3A_215 : memref<32x512xf32, #tpu.memory_space<hbm>>) dst(%dma_wait3A_213 : memref<32x512xf32, #tpu.memory_space<hbm>>)
    return
  }
}

</mosaic_0001>

<sc_bundles>
// kernel: kernel.3.cloned.1.call-start
scs
__scs_entry_jumppad:
0x0: {  	(pc) =	sbr.rel $0x88, $3  }
0x1: {  	(tag) =	ssettag $0x0;
	lr =	simm.s32 $0x1  }
0x2: {  	[smem:$0x3F9F] =	sst lr;
	_ =	strace $0xD0000000  }
0x3: {  	_ = 	snop  }
0x4: {  	_ = 	snop  }
0x5: {  	_ = 	snop  }
0x6: {  	_ = 	snop  }
0x7: {  	_ = 	snop  }
__scs_overlays_trampoline_lowered:
0x8: {  	[smem:$0x3FAE] =	sst s0  }
0x9: {  	[smem:$0x3FAF] =	sst s1  }
0xa: {  	[smem:$0x3FB0] =	sst s2  }
0xb: {  	[smem:$0x3FB1] =	sst s3  }
0xc: {  	[smem:$0x3FB2] =	sst s4  }
0xd: {  	[smem:$0x3FB3] =	sst s5  }
0xe: {  	[smem:$0x3FB4] =	sst s6  }
0xf: {  	[smem:$0x3FB5] =	sst s7  }
0x10: {  	[smem:$0x3FB6] =	sst s8  }
0x11: {  	[smem:$0x3FB7] =	sst s9;
	s0 =	simm.s32 @!p0 $0x0  }
0x12: {  	s1 =	sld [smem:$0x3F9D];
	s0 =	simm.s32 @p0 $0x1  }
0x13: {  	[smem:$0x3FB8] =	sst s0;
	s0 =	simm.s32 @!p1 $0x0  }
0x14: {  	s2 =	sld [smem:$0x3F9C];
	s0 =	simm.s32 @p1 $0x1  }
0x15: {  	[smem:$0x3FB9] =	sst s0;
	s0 =	simm.s32 @!p2 $0x0  }
0x16: {  	s3 =	sld [smem:$0x3FDB];
	s0 =	simm.s32 @p2 $0x1  }
0x17: {  	s4 =	simm.s32 $0x1BF5;
	[smem:$0x3FBB] =	sst s0  }
0x18: {  	s0 =	sld [smem:$0x3F9E];
	_ =	swait.ge [sflag:s4], $0x0  }
0x19: {  	s7 =	sld [smem:$0x3F9F]  }
0x1a: {  	s8 =	sadd.s32 $0xFFFFE003, lr  }
0x1b: {  	s9 =	sadd.s32 $0xFFFFFEF7, lr;
	s5 =	simm.s32 $0xFFFFFFFF;
	p2 =	slt.u32 s8, $0xFFFFF086  }
0x1c: {  	p1 =	slt.u32 s9, $0xF7A;
	s5 =	simm.s32 @!p2 $0x0  }
0x1d: {  	s5 =	simm.s32 @p1 $0x1;
	p0 =	seq.s32 s7, s2  }
0x1e: {  	s7 =	smul.u32 @!p0 $0xF7A, s2;
	p2 =	seq.s32 @!p0 s5, $0x0  }
0x1f: {  	s9 =	smul.u32 $0xF7A, s1;
	s8 =	simm.s32 @!p0 $0x1BF5;
	p2 =	por !p2, p0  }
0x20: {  	[sflag:s8] =	ssyncset.s32 @!p0 $0xFFFFF086;
	s6 =	sadd.s32 @!p0 s3, s7;
	s7 =	simm.s32 @!p0 $0x108  }
0x21: {  	s3 =	sadd.s32 s3, s9;
	s6 =	sadd.s32 @!p0 $0x88, s6;
	s7 =	simm.s32 @p2 $0x1082  }
0x22: {  	[simem:s7], [sflag:s8] =	dma.local @!p0 [hbm:s6], $0xF7A  }
0x23: {  	s9 =	sor.u32 $0xD0000000, s2;
	s6 =	simm.s32 $0x108;
	_ =	swait.ge @!p0 [sflag:s8], $0x0  }
0x24: {  	s3 =	sadd.s32 $0x88, s3;
	s6 =	simm.s32 @!p1 $0x1082;
	[sflag:s4] =	ssyncset.s32 $0xFFFFF086  }
0x25: {  	[simem:s6], [sflag:s4] =	dma.local [hbm:s3], $0xF7A  }
0x26: {  	[smem:$0x3F9F] =	sst s1;
	(tag) =	ssettag s2;
	_ =	strace s9  }
0x27: {  	s1 =	sld [smem:$0x3FAF]  }
0x28: {  	s2 =	sld [smem:$0x3FB0]  }
0x29: {  	s4 =	sld [smem:$0x3FB2]  }
0x2a: {  	p0 =	seq.s32 s5, $0x0;
	s5 =	sld [smem:$0x3FB3]  }
0x2b: {  	s6 =	sld [smem:$0x3FB4]  }
0x2c: {  	s7 =	sld [smem:$0x3FB5]  }
0x2d: {  	s3 =	simm.s32 $0x108;
	s8 =	sld [smem:$0x3FB6]  }
0x2e: {  	s3 =	simm.s32 @!p0 $0x1082;
	s9 =	sld [smem:$0x3FB7]  }
0x2f: {  	lr =	sadd.s32 s0, s3;
	s0 =	sld [smem:$0x3FAE]  }
0x30: {  	s3 =	sld [smem:$0x3FB1]  }
0x31: {  	[smem:$0x3FBA] =	sst s10  }
0x32: {  	s10 =	sld [smem:$0x3FB8];
	_ =	sdelay $0x3  }
0x33: {  	p0 =	seq.s32 s10, $0x1;
	s10 =	sld [smem:$0x3FBA];
	_ =	sdelay $0x3  }
0x34: {  	[smem:$0x3FBA] =	sst s10  }
0x35: {  	s10 =	sld [smem:$0x3FB9];
	_ =	sdelay $0x3  }
0x36: {  	p1 =	seq.s32 s10, $0x1;
	s10 =	sld [smem:$0x3FBA];
	_ =	sdelay $0x3  }
0x37: {  	[smem:$0x3FBA] =	sst s10  }
0x38: {  	s10 =	sld [smem:$0x3FBB]  }
0x39: {  	_ = 	snop;
	(pc) =	sbr.ind lr, $3  }
0x3a: {  	_ = 	snop  }
0x3b: {  	_ = 	snop  }
0x3c: {  	p2 =	seq.s32 s10, $0x1;
	s10 =	sld [smem:$0x3FBA]  }
0x3d: {  	_ =	shalt  }
0x3e: {  	_ =	shalt  }
0x3f: {  	_ =	shalt  }
0x40: {  	_ =	shalt  }
0x41: {  	_ =	shalt  }
0x42: {  	_ =	shalt  }
0x43: {  	_ =	shalt  }
0x44: {  	_ =	shalt  }
0x45: {  	_ =	shalt  }
0x46: {  	_ =	shalt  }
0x47: {  	_ =	shalt  }
0x48: {  	_ =	shalt  }
0x49: {  	_ =	shalt  }
0x4a: {  	_ =	shalt  }
0x4b: {  	_ =	shalt  }
0x4c: {  	_ =	shalt  }
0x4d: {  	_ =	shalt  }
0x4e: {  	_ =	shalt  }
0x4f: {  	_ =	shalt  }
0x50: {  	_ =	shalt  }
0x51: {  	_ =	shalt  }
0x52: {  	_ =	shalt  }
0x53: {  	_ =	shalt  }
0x54: {  	_ =	shalt  }
0x55: {  	_ =	shalt  }
0x56: {  	_ =	shalt  }
0x57: {  	_ =	shalt  }
0x58: {  	_ =	shalt  }
0x59: {  	_ =	shalt  }
0x5a: {  	_ =	shalt  }
0x5b: {  	_ =	shalt  }
0x5c: {  	_ =	shalt  }
0x5d: {  	_ =	shalt  }
0x5e: {  	_ =	shalt  }
0x5f: {  	_ =	shalt  }
0x60: {  	_ =	shalt  }
0x61: {  	_ =	shalt  }
0x62: {  	_ =	shalt  }
0x63: {  	_ =	shalt  }
0x64: {  	_ =	shalt  }
0x65: {  	_ =	shalt  }
0x66: {  	_ =	shalt  }
0x67: {  	_ =	shalt  }
0x68: {  	_ =	shalt  }
0x69: {  	_ =	shalt  }
0x6a: {  	_ =	shalt  }
0x6b: {  	_ =	shalt  }
0x6c: {  	_ =	shalt  }
0x6d: {  	_ =	shalt  }
0x6e: {  	_ =	shalt  }
0x6f: {  	_ =	shalt  }
0x70: {  	_ =	shalt  }
0x71: {  	_ =	shalt  }
0x72: {  	_ =	shalt  }
0x73: {  	_ =	shalt  }
0x74: {  	_ =	shalt  }
0x75: {  	_ =	shalt  }
0x76: {  	_ =	shalt  }
0x77: {  	_ =	shalt  }
0x78: {  	_ =	shalt  }
0x79: {  	_ =	shalt  }
0x7a: {  	_ =	shalt  }
0x7b: {  	_ =	shalt  }
0x7c: {  	_ =	shalt  }
0x7d: {  	_ =	shalt  }
0x7e: {  	_ =	shalt  }
0x7f: {  	_ =	shalt  }
0x80: {  	_ =	shalt  }
0x81: {  	_ =	shalt  }
0x82: {  	_ =	shalt  }
0x83: {  	_ =	shalt  }
0x84: {  	_ =	shalt  }
0x85: {  	_ =	shalt  }
0x86: {  	_ =	shalt  }
0x87: {  	_ =	shalt  }
.Lfunc_end0:
.L_simem_size_0:
called_computation_lowered:
.L_overlay_start_0:
0x88: {  	s2 =	sld [smem:$0x3FD9]  }
0x89: {  	s3 =	sld [smem:$0x3FFE];
	_ =	sdelay $0x1  }
0x8a: {  	s1 =	srdreg.scid  }
0x8b: {  	s0 =	sand.u32 $0x1, s1  }
0x8c: {  	s18 =	sshll.u32 s0, $0xA;
	s2 =	sadd.s32 s3, s2  }
0x8d: {  	s2 =	sadd.s32 s2, s18  }
0x8e: {  	[smem:$0x3FC6] =	sst s2  }
0x8f: {  	_ = 	snop  }
0x90: {  	s2 =	sld [smem:$0x3FC9]  }
0x91: {  	s19 =	sld [smem:$0x3FC8]  }
0x92: {  	s4 =	sld [smem:$0x3FD0];
	(tm) =	ssettm $0x1  }
0x93: {  	s5 =	sld [smem:$0x3FFB];
	_ =	sdelay $0x3  }
0x94: {  	_ =	strace s5  }
0x95: {  	s5 =	sld [smem:$0x3FFC];
	_ =	sdelay $0x3  }
0x96: {  	_ =	strace s5  }
0x97: {  	s5 =	sld [smem:$0x3FFD];
	_ =	sdelay $0x3  }
0x98: {  	_ =	strace s5  }
0x99: {  	_ =	strace $0x8FFFFFFF  }
0x9a: {  	s20 =	sld [smem:$0x3FDB];
	_ =	sdelay $0x1  }
0x9b: {  	s6 =	simm.s32 $_scs_section_size  }
0x9c: {  	s7 =	simm.s32 $_size__tile_overlayer_lowered;
	s8 =	simm.s32 $_tile_overlayer_lowered  }
0x9d: {  	s23 =	simm.s32 $0x1BFF;
	s22 =	sshll.u32 s8, $0x1;
	s5 =	sadd.s32 s6, s20  }
0x9e: {  	s9 =	simm.s32 $0x0;
	s21 =	sshll.u32 s7, $0x1;
	s7 =	sadd.s32 s22, s5  }
0x9f: {  	[timem:s9], [sflag:s23] =	dma.local [hbm:s7], s21  }
0xa0: {  	_ =	swait.ge [sflag:s23], s21  }
0xa1: {  	s6 =	ssub.s32 $0x0, s21;
	[sflag:s23] =	ssyncset.done $0x0  }
0xa2: {  	[sflag:s23] =	ssyncadd.s32 s6;
	_ =	sdelay $0x1  }
0xa3: {  	s24 =	simm.s32 $0x1B8B  }
0xa4: {  	_ =	swait.ge [sflag:s24], $0x1  }
0xa5: {  	[sflag:s24] =	ssyncset.done $0x0  }
0xa6: {  	s25 =	simm.s32 $0x1B8E;
	[sflag:s24] =	ssyncadd.s32 $0xFFFFFFFF  }
0xa7: {  	s26 =	simm.s32 $execute0_lowered;
	[smem:$0x3FD2] =	sst s25  }
0xa8: {  	s6 =	sshll.u32 s26, $0x1;
	_ =	strace $0x80000046;
	[dreg:$0x1] =	wrdreg $0xFFFFFFFF  }
0xa9: {  	s28 =	simm.s32 $_size_execute0_lowered;
	s5 =	sadd.s32 s5, s6;
	[dreg:$0x0] =	wrdreg $0x0  }
0xaa: {  	s6 =	sshll.u32 s28, $0x1;
	[dreg:$0x2] =	wrdreg s5  }
0xab: {  	[dreg:$0x3] =	wrdreg s6  }
0xac: {  	[dreg:$0x4] =	wrdreg $0xC0  }
0xad: {  	_ =	task [dreg:s9], $0x5FFFF  }
0xae: {  	[dreg:$0x1] =	wrdreg $0xFFFFFFFF  }
0xaf: {  	[dreg:$0x0] =	wrdreg $0x60  }
0xb0: {  	[dreg:$0x2] =	wrdreg s19  }
0xb1: {  	[dreg:$0x3] =	wrdreg s2  }
0xb2: {  	[dreg:$0x4] =	wrdreg s4  }
0xb3: {  	[dreg:$0x5] =	wrdreg $0x9  }
0xb4: {  	_ =	task.clear_ibuf [dreg:s9], $0x6FFFF;
	_ =	strace $0x90000046  }
0xb5: {  	s29 =	simm.s32 $0x9;
	_ =	strace $0x80000048  }
0xb6: {  	_ =	swait.ge [sflag:s29], $0x1  }
0xb7: {  	[sflag:s29] =	ssyncadd.s32 $0xFFFFFFFF  }
0xb8: {  	_ =	strace $0x90000048  }
0xb9: {  	_ =	sfence  }
0xba: {  	s30 =	sld [smem:$0x0];
	_ =	sdelay $0x2  }
0xbb: {  	s31 =	sshll.u32 s1, $0xD;
	s1 =	sshrl.u32 s1, $0x2  }
0xbc: {  	s3 =	sand.u32 $0x4000, s31;
	s1 =	sadd.s32 s1, s30  }
0xbd: {  	s0 =	sor.u32 s3, s0;
	s1 =	sshll.u32 s1, $0x11  }
0xbe: {  	s0 =	sor.u32 s1, s0  }
0xbf: {  	s0 =	sadd.s32 $0x8F2B, s0  }
0xc0: {  	[sflag:s0] =	ssyncadd.remote.s32 $0x1  }
0xc1: {  	_ =	sfence.sel $0xFFFF  }
0xc2: {  	[dreg:$0x0] =	wrdreg $0xFFFFFFFF;
	(pc) =	sbr.abs _section_cstart, $3  }
0xc3: {  	[dreg:$0x1] =	wrdreg $0xFFFFFFFF  }
0xc4: {  	_ =	task.clear_ibuf [dreg:s9], $0x2FFFF;
	_ =	strace $0x9FFFFFFF  }
0xc5: {  	(tm) =	ssettm $0x7FFFFFFF  }
tec
execute0_lowered:
.L_overlay_start_1:
0x0: {  	(tag) =	ssettag $0x1  }
0x1: {  	s0 =	srdreg.scid  }
0x2: {  	s1 =	stileid.u32;
	s19 =	rddreg [dreg:$0x0]  }
0x3: {  	s5 =	rddreg [dreg:$0x1];
	s4 =	sand.u32 $0x1, s0;
	s1 =	sshll.u32 s1, $0x1  }
0x4: {  	s2 =	rddreg [dreg:$0x2];
	s3 =	simm.s32 $0x0;
	s1 =	sor.u32 s4, s1  }
0x5: {  	[smem:$0x7FF] =	sst s3;
	s4 =	ssub.s32 $0x2, s4;
	s6 =	smul.u32 $0x25, s1  }
0x6: {  	_ =	strace $0x80000047;
	s9 =	sshrl.u32 s4, $0x1;
	s10 =	sshll.u32 s1, $0x2  }
0x7: {  	s4 =	ssub.s32 s4, s9;
	s5 =	sadd.s32 s5, s10;
	s7 =	sshrl.u32 s6, $0x8  }
0x8: {  	s8 =	sadd.s32 $0x25, s6;
	[dreg:$0x5] =	wrdreg s5;
	s22 =	sadd.s32 $0x4A, s6  }
0x9: {  	s23 =	sadd.s32 $0x6F, s6;
	s7 =	smul.u32 $0x7, s7;
	s8 =	sshrl.u32 s8, $0x8  }
0xa: {  	s25 =	sadd.s32 $0x94, s6;
	s9 =	sshrl.u32 s22, $0x8;
	s8 =	smul.u32 $0x7, s8  }
0xb: {  	s12 =	sadd.s32 $0xB9, s6;
	s10 =	sshrl.u32 s23, $0x8;
	s9 =	smul.u32 $0x7, s9  }
0xc: {  	s6 =	sadd.s32 $0xDE, s6;
	s12 =	sshrl.u32 s12, $0x8;
	s10 =	smul.u32 $0x7, s10  }
0xd: {  	s26 =	smax.u32 s4, $0x1;
	s6 =	sshrl.u32 s6, $0x8;
	s12 =	smul.u32 $0x7, s12  }
0xe: {  	[dreg:$0x9] =	wrdreg s26;
	s6 =	smul.u32 $0x7, s6;
	s7 =	ssub.s32 s1, s7  }
0xf: {  	s7 =	sand.u32 $0xFF, s7;
	s8 =	ssub.s32 s1, s8;
	s9 =	ssub.s32 s1, s9  }
0x10: {  	s10 =	ssub.s32 s1, s10;
	s12 =	ssub.s32 s1, s12;
	s6 =	ssub.s32 s1, s6  }
0x11: {  	s20 =	sshll.u32 s7, $0x7;
	s7 =	sshll.u32 s7, $0x4;
	s8 =	sadd.s32 $0x1, s8  }
0x12: {  	s9 =	sadd.s32 $0x2, s9;
	s10 =	sadd.s32 $0x3, s10;
	s21 =	sadd.s32 $0x80, s20  }
0x13: {  	s12 =	sadd.s32 $0x5, s12;
	s28 =	sadd.s32 $0x480, s20;
	[dreg:$0x6] =	wrdreg s21  }
0x14: {  	s6 =	sadd.s32 $0x6, s6;
	s29 =	sadd.s32 $0x880, s20;
	[dreg:$0xa] =	wrdreg s28  }
0x15: {  	s8 =	sand.u32 $0xFF, s8;
	s30 =	sadd.s32 $0xC80, s20;
	[dreg:$0xb] =	wrdreg s29  }
0x16: {  	s18 =	sadd.s32 s19, s7;
	s24 =	sshll.u32 s8, $0x7;
	[dreg:$0xc] =	wrdreg s30  }
0x17: {  	s9 =	sand.u32 $0xFF, s9;
	[dreg:$0x7] =	wrdreg s18;
	s11 =	sadd.s32 $0x80, s24  }
0x18: {  	s10 =	sand.u32 $0xFF, s10;
	s31 =	sadd.s32 $0x480, s24;
	[dreg:$0x8] =	wrdreg s11  }
0x19: {  	s14 =	sshll.u32 s9, $0x7;
	s4 =	sadd.s32 $0xC80, s24;
	[dreg:$0xd] =	wrdreg s31  }
0x1a: {  	s12 =	sand.u32 $0xFF, s12;
	s5 =	sadd.s32 $0x80, s14;
	[dreg:$0xf] =	wrdreg s4  }
0x1b: {  	s6 =	sand.u32 $0xFF, s6;
	s7 =	sadd.s32 $0x480, s14;
	[dreg:$0x10] =	wrdreg s5  }
0x1c: {  	s15 =	sshll.u32 s10, $0x7;
	s20 =	sadd.s32 $0xC80, s14;
	[dreg:$0x11] =	wrdreg s7  }
0x1d: {  	s8 =	sshll.u32 s8, $0x4;
	s21 =	sadd.s32 $0x80, s15;
	[dreg:$0x13] =	wrdreg s20  }
0x1e: {  	s9 =	sshll.u32 s9, $0x4;
	s22 =	sadd.s32 $0x480, s15;
	[dreg:$0x14] =	wrdreg s21  }
0x1f: {  	s17 =	sshll.u32 s12, $0x7;
	s23 =	sadd.s32 $0x880, s15;
	[dreg:$0x15] =	wrdreg s22  }
0x20: {  	s10 =	sshll.u32 s10, $0x4;
	s30 =	sadd.s32 $0x80, s17;
	[dreg:$0x16] =	wrdreg s23  }
0x21: {  	s13 =	sshll.u32 s6, $0x4;
	[dreg:$0x1c] =	wrdreg s30;
	s31 =	sadd.s32 $0x480, s17  }
0x22: {  	s6 =	sshll.u32 s6, $0x7;
	s4 =	sadd.s32 $0xC80, s17;
	[dreg:$0x1d] =	wrdreg s31  }
0x23: {  	s12 =	sshll.u32 s12, $0x4;
	s5 =	sadd.s32 $0x80, s6;
	[dreg:$0x1f] =	wrdreg s4  }
0x24: {  	s8 =	sadd.s32 s19, s8;
	s7 =	sadd.s32 $0x480, s6;
	[smem:$0x7EC] =	sst s5  }
0x25: {  	s9 =	sadd.s32 s19, s9;
	s20 =	sadd.s32 $0x80, s8;
	[smem:$0x7ED] =	sst s7  }
0x26: {  	s11 =	sshrl.u32 s25, $0x8;
	s21 =	sadd.s32 $0x100, s8;
	[smem:$0x7F3] =	sst s20  }
0x27: {  	s22 =	sadd.s32 $0x180, s8;
	s11 =	smul.u32 $0x7, s11;
	[smem:$0x7F4] =	sst s21  }
0x28: {  	s10 =	sadd.s32 s19, s10;
	s23 =	sadd.s32 $0x80, s9;
	[smem:$0x7F5] =	sst s22  }
0x29: {  	[smem:$0x7F6] =	sst s23;
	s11 =	ssub.s32 s1, s11;
	s1 =	sshll.u32 s1, $0xB  }
0x2a: {  	s12 =	sadd.s32 s19, s12;
	[dreg:$0x4] =	wrdreg s1;
	s1 =	sadd.s32 $0x880, s24  }
0x2b: {  	s13 =	sadd.s32 s19, s13;
	s24 =	sadd.s32 $0xC80, s15;
	[dreg:$0xe] =	wrdreg s1  }
0x2c: {  	s11 =	sadd.s32 $0x4, s11;
	s15 =	sadd.s32 $0xC80, s6;
	[dreg:$0x17] =	wrdreg s24  }
0x2d: {  	s11 =	sand.u32 $0xFF, s11;
	s1 =	sadd.s32 $0x880, s17;
	[smem:$0x7EF] =	sst s15  }
0x2e: {  	s17 =	sadd.s32 $0x100, s18;
	s24 =	sadd.s32 $0x100, s9;
	[dreg:$0x1e] =	wrdreg s1  }
0x2f: {  	s16 =	sshll.u32 s11, $0x7;
	s11 =	sshll.u32 s11, $0x4;
	[smem:$0x7F1] =	sst s17  }
0x30: {  	[smem:$0x7F7] =	sst s24;
	s11 =	sadd.s32 s19, s11;
	s19 =	sadd.s32 $0x880, s14  }
0x31: {  	s25 =	sadd.s32 $0x80, s16;
	[dreg:$0x12] =	wrdreg s19  }
0x32: {  	s26 =	sadd.s32 $0x480, s16;
	[dreg:$0x18] =	wrdreg s25  }
0x33: {  	s28 =	sadd.s32 $0x880, s16;
	[dreg:$0x19] =	wrdreg s26  }
0x34: {  	s29 =	sadd.s32 $0xC80, s16;
	[dreg:$0x1a] =	wrdreg s28  }
0x35: {  	s0 =	smov.u32 s8;
	s14 =	sadd.s32 $0x880, s6;
	[dreg:$0x1b] =	wrdreg s29  }
0x36: {  	s5 =	sadd.s32 $0x80, s12;
	s16 =	sadd.s32 $0x80, s18;
	[smem:$0x7EE] =	sst s14  }
0x37: {  	s7 =	sadd.s32 $0x100, s12;
	[smem:$0x7F0] =	sst s16;
	s19 =	sadd.s32 $0x180, s18  }
0x38: {  	s20 =	simm.s32 $0x0;
	s25 =	sadd.s32 $0x180, s9;
	[smem:$0x7F2] =	sst s19  }
0x39: {  	s15 =	sadd.s32 $0x80, s13;
	s26 =	sadd.s32 $0x80, s10;
	[smem:$0x7F8] =	sst s25  }
0x3a: {  	s17 =	sadd.s32 $0x180, s13;
	s28 =	sadd.s32 $0x100, s10;
	[smem:$0x7F9] =	sst s26  }
0x3b: {  	s29 =	sadd.s32 $0x180, s10;
	s30 =	sadd.s32 $0x80, s11;
	[smem:$0x7FA] =	sst s28  }
0x3c: {  	s31 =	sadd.s32 $0x100, s11;
	s4 =	sadd.s32 $0x180, s11;
	[smem:$0x7FB] =	sst s29  }
0x3d: {  	s14 =	sadd.s32 $0x180, s12;
	s16 =	sadd.s32 $0x100, s13;
	[smem:$0x7FC] =	sst s30  }
0x3e: {  	v0 =	vlaneseq.u32;
	s18 =	simm.s32 $0x1;
	[smem:$0x7FD] =	sst s31;
	s19 =	simm.s32 $0x2  }
.LBB2_1:
0x3f: {  	s1 =	rddreg [dreg:$0x5]  }
0x40: {  	s24 =	rddreg [dreg:$0x6]  }
0x41: {  	s6 =	rddreg [dreg:$0x7]  }
0x42: {  	s25 =	rddreg [dreg:$0xa]  }
0x43: {  	s26 =	sld [smem:$0x7F0]  }
0x44: {  	s28 =	rddreg [dreg:$0xb]  }
0x45: {  	s29 =	sld [smem:$0x7F1]  }
0x46: {  	s30 =	rddreg [dreg:$0xc]  }
0x47: {  	s31 =	sld [smem:$0x7F2]  }
0x48: {  	s8 =	rddreg [dreg:$0xd]  }
0x49: {  	s21 =	sld [smem:$0x7F3]  }
0x4a: {  	s22 =	rddreg [dreg:$0xe]  }
0x4b: {  	[tilespmem:s3], [sflag:$0x1] =	stream.linear.gather [hbm4b:s1+s3], $0x20, $0x38;
	[tilespmem:$0x1080] =	vst v63  }
0x4c: {  	s23 =	sld [smem:$0x7F4]  }
0x4d: {  	[tilespmem:s24], [sflag:$0x1] =	stream.linear.gather [hbm4b:s6+s3], $0x80, $0x38;
	[tilespmem:$0x1080] =	vst v63  }
0x4e: {  	s6 =	rddreg [dreg:$0x8]  }
0x4f: {  	s24 =	rddreg [dreg:$0xf]  }
0x50: {  	[tilespmem:s25], [sflag:$0x1] =	stream.linear.gather [hbm4b:s26+s3], $0x80, $0x38;
	[tilespmem:$0x1080] =	vst v63  }
0x51: {  	s25 =	sld [smem:$0x7F5]  }
0x52: {  	s26 =	rddreg [dreg:$0x10]  }
0x53: {  	[tilespmem:s28], [sflag:$0x1] =	stream.linear.gather [hbm4b:s29+s3], $0x80, $0x38;
	[tilespmem:$0x1080] =	vst v63  }
0x54: {  	s28 =	rddreg [dreg:$0x11]  }
0x55: {  	s29 =	sld [smem:$0x7F6]  }
0x56: {  	[tilespmem:s30], [sflag:$0x1] =	stream.linear.gather [hbm4b:s31+s3], $0x80, $0x38;
	[tilespmem:$0x1080] =	vst v63  }
0x57: {  	s30 =	rddreg [dreg:$0x12]  }
0x58: {  	s31 =	sld [smem:$0x7F7]  }
0x59: {  	[tilespmem:s6], [sflag:$0x1] =	stream.linear.gather [hbm4b:s0+s3], $0x80, $0x38;
	[tilespmem:$0x1080] =	vst v63  }
0x5a: {  	s6 =	rddreg [dreg:$0x13]  }
0x5b: {  	[tilespmem:s8], [sflag:$0x1] =	stream.linear.gather [hbm4b:s21+s3], $0x80, $0x38;
	[tilespmem:$0x1080] =	vst v63  }
0x5c: {  	s8 =	sld [smem:$0x7F8]  }
0x5d: {  	s21 =	rddreg [dreg:$0x14]  }
0x5e: {  	[tilespmem:s22], [sflag:$0x1] =	stream.linear.gather [hbm4b:s23+s3], $0x80, $0x38;
	[tilespmem:$0x1080] =	vst v63  }
0x5f: {  	s22 =	rddreg [dreg:$0x15]  }
0x60: {  	[tilespmem:s24], [sflag:$0x1] =	stream.linear.gather [hbm4b:s25+s3], $0x80, $0x38;
	[tilespmem:$0x1080] =	vst v63  }
0x61: {  	s23 =	sld [smem:$0x7F9]  }
0x62: {  	[tilespmem:s26], [sflag:$0x1] =	stream.linear.gather [hbm4b:s9+s3], $0x80, $0x38;
	[tilespmem:$0x1080] =	vst v63  }
0x63: {  	s24 =	rddreg [dreg:$0x16]  }
0x64: {  	[tilespmem:s28], [sflag:$0x1] =	stream.linear.gather [hbm4b:s29+s3], $0x80, $0x38;
	[tilespmem:$0x1080] =	vst v63  }
0x65: {  	s25 =	sld [smem:$0x7FA]  }
0x66: {  	[tilespmem:s30], [sflag:$0x1] =	stream.linear.gather [hbm4b:s31+s3], $0x80, $0x38;
	[tilespmem:$0x1080] =	vst v63  }
0x67: {  	s26 =	rddreg [dreg:$0x17]  }
0x68: {  	[tilespmem:s6], [sflag:$0x1] =	stream.linear.gather [hbm4b:s8+s3], $0x80, $0x38;
	[tilespmem:$0x1080] =	vst v63  }
0x69: {  	s28 =	sld [smem:$0x7FB]  }
0x6a: {  	[tilespmem:s21], [sflag:$0x1] =	stream.linear.gather [hbm4b:s10+s3], $0x80, $0x38;
	[tilespmem:$0x1080] =	vst v63  }
0x6b: {  	s29 =	rddreg [dreg:$0x18]  }
0x6c: {  	[tilespmem:s22], [sflag:$0x1] =	stream.linear.gather [hbm4b:s23+s3], $0x80, $0x38;
	[tilespmem:$0x1080] =	vst v63  }
0x6d: {  	s30 =	rddreg [dreg:$0x19]  }
0x6e: {  	[tilespmem:s24], [sflag:$0x1] =	stream.linear.gather [hbm4b:s25+s3], $0x80, $0x38;
	[tilespmem:$0x1080] =	vst v63  }
0x6f: {  	s31 =	sld [smem:$0x7FC]  }
0x70: {  	[tilespmem:s26], [sflag:$0x1] =	stream.linear.gather [hbm4b:s28+s3], $0x80, $0x38;
	[tilespmem:$0x1080] =	vst v63  }
0x71: {  	s8 =	rddreg [dreg:$0x1a]  }
0x72: {  	[tilespmem:s29], [sflag:$0x1] =	stream.linear.gather [hbm4b:s11+s3], $0x80, $0x38;
	[tilespmem:$0x1080] =	vst v63  }
0x73: {  	s21 =	sld [smem:$0x7FD]  }
0x74: {  	[tilespmem:s30], [sflag:$0x1] =	stream.linear.gather [hbm4b:s31+s3], $0x80, $0x38;
	[tilespmem:$0x1080] =	vst v63  }
0x75: {  	s22 =	rddreg [dreg:$0x1b]  }
0x76: {  	[tilespmem:s8], [sflag:$0x1] =	stream.linear.gather [hbm4b:s21+s3], $0x80, $0x38;
	[tilespmem:$0x1080] =	vst v63  }
0x77: {  	s23 =	rddreg [dreg:$0x1c]  }
0x78: {  	[tilespmem:s22], [sflag:$0x1] =	stream.linear.gather [hbm4b:s4+s3], $0x80, $0x38;
	[tilespmem:$0x1080] =	vst v63  }
0x79: {  	s24 =	rddreg [dreg:$0x1d]  }
0x7a: {  	[tilespmem:s23], [sflag:$0x1] =	stream.linear.gather [hbm4b:s12+s3], $0x80, $0x38;
	[tilespmem:$0x1080] =	vst v63  }
0x7b: {  	s25 =	rddreg [dreg:$0x1e]  }
0x7c: {  	[tilespmem:s24], [sflag:$0x1] =	stream.linear.gather [hbm4b:s5+s3], $0x80, $0x38;
	[tilespmem:$0x1080] =	vst v63  }
0x7d: {  	s26 =	rddreg [dreg:$0x1f]  }
0x7e: {  	[tilespmem:s25], [sflag:$0x1] =	stream.linear.gather [hbm4b:s7+s3], $0x80, $0x38;
	[tilespmem:$0x1080] =	vst v63  }
0x7f: {  	s28 =	sld [smem:$0x7EC]  }
0x80: {  	[tilespmem:s26], [sflag:$0x1] =	stream.linear.gather [hbm4b:s14+s3], $0x80, $0x38;
	[tilespmem:$0x1080] =	vst v63  }
0x81: {  	s29 =	sld [smem:$0x7ED]  }
0x82: {  	[tilespmem:s28], [sflag:$0x1] =	stream.linear.gather [hbm4b:s13+s3], $0x80, $0x38;
	[tilespmem:$0x1080] =	vst v63  }
0x83: {  	s30 =	sld [smem:$0x7EE]  }
0x84: {  	[tilespmem:s29], [sflag:$0x1] =	stream.linear.gather [hbm4b:s15+s3], $0x80, $0x38;
	[tilespmem:$0x1080] =	vst v63  }
0x85: {  	s31 =	sld [smem:$0x7EF]  }
0x86: {  	[tilespmem:s30], [sflag:$0x1] =	stream.linear.gather [hbm4b:s16+s3], $0x80, $0x38;
	[tilespmem:$0x1080] =	vst v63  }
0x87: {  	_ = 	snop  }
0x88: {  	[tilespmem:s31], [sflag:$0x1] =	stream.linear.gather [hbm4b:s17+s3], $0x80, $0x38;
	[tilespmem:$0x1080] =	vst v63  }
0x89: {  	_ =	swait.ge [sflag:s18], $0x20  }
0x8a: {  	[sflag:s18] =	ssyncset.done $0x0  }
0x8b: {  	[sflag:s18] =	ssyncadd.s32 $0xFFFFFFE0  }
0x8c: {  	_ =	swait.ge [sflag:s18], $0x200  }
0x8d: {  	[sflag:s18] =	ssyncset.done $0x0  }
0x8e: {  	[sflag:s18] =	ssyncadd.s32 $0xFFFFFE00  }
0x8f: {  	_ =	swait.ge [sflag:s18], $0x200  }
0x90: {  	[sflag:s18] =	ssyncset.done $0x0  }
0x91: {  	[sflag:s18] =	ssyncadd.s32 $0xFFFFFE00  }
0x92: {  	_ =	swait.ge [sflag:s18], $0x200  }
0x93: {  	[sflag:s18] =	ssyncset.done $0x0  }
0x94: {  	[sflag:s18] =	ssyncadd.s32 $0xFFFFFE00  }
0x95: {  	_ =	swait.ge [sflag:s18], $0x200  }
0x96: {  	[sflag:s18] =	ssyncset.done $0x0  }
0x97: {  	[sflag:s18] =	ssyncadd.s32 $0xFFFFFE00  }
0x98: {  	_ =	swait.ge [sflag:s18], $0x200  }
0x99: {  	[sflag:s18] =	ssyncset.done $0x0  }
0x9a: {  	[sflag:s18] =	ssyncadd.s32 $0xFFFFFE00  }
0x9b: {  	_ =	swait.ge [sflag:s18], $0x200  }
0x9c: {  	[sflag:s18] =	ssyncset.done $0x0  }
0x9d: {  	[sflag:s18] =	ssyncadd.s32 $0xFFFFFE00  }
0x9e: {  	_ =	swait.ge [sflag:s18], $0x200  }
0x9f: {  	[sflag:s18] =	ssyncset.done $0x0  }
0xa0: {  	s6 =	simm.s32 $0x0;
	[sflag:s18] =	ssyncadd.s32 $0xFFFFFE00  }
0xa1: {  	v1 =	vld [tilespmem:s6+$0x80]  }
0xa2: {  	v2 =	vld [tilespmem:s6+$0x90]  }
0xa3: {  	v3 =	vld [tilespmem:s6+$0xA0]  }
0xa4: {  	v4 =	vld [tilespmem:s6+$0xB0]  }
0xa5: {  	v5 =	vld [tilespmem:s6+$0xC0]  }
0xa6: {  	v6 =	vld [tilespmem:s6+$0xD0];
	v1 =	vmul.f32 $1.428571490e-01, v1  }
0xa7: {  	v7 =	vld [tilespmem:s6+$0xE0];
	v2 =	vmul.f32 $1.428571490e-01, v2  }
0xa8: {  	v3 =	vmul.f32 $1.428571490e-01, v3;
	[tilespmem:s6+$0x80] =	vst v1;
	v1 =	vld [tilespmem:s6+$0xF0]  }
0xa9: {  	v4 =	vmul.f32 $1.428571490e-01, v4;
	[tilespmem:s6+$0x90] =	vst v2;
	v2 =	vld [tilespmem:s6+$0x480]  }
0xaa: {  	v5 =	vmul.f32 $1.428571490e-01, v5;
	[tilespmem:s6+$0xA0] =	vst v3;
	v3 =	vld [tilespmem:s6+$0x490]  }
0xab: {  	v6 =	vmul.f32 $1.428571490e-01, v6;
	[tilespmem:s6+$0xB0] =	vst v4;
	v4 =	vld [tilespmem:s6+$0x4A0]  }
0xac: {  	v7 =	vmul.f32 $1.428571490e-01, v7;
	[tilespmem:s6+$0xC0] =	vst v5;
	v5 =	vld [tilespmem:s6+$0x4B0]  }
0xad: {  	[tilespmem:s6+$0xD0] =	vst v6;
	v6 =	vld [tilespmem:s6+$0x4C0];
	v1 =	vmul.f32 $1.428571490e-01, v1  }
0xae: {  	[tilespmem:s6+$0xE0] =	vst v7;
	v7 =	vld [tilespmem:s6+$0x4D0];
	v2 =	vmul.f32 $1.428571490e-01, v2  }
0xaf: {  	v3 =	vmul.f32 $1.428571490e-01, v3;
	[tilespmem:s6+$0xF0] =	vst v1;
	v1 =	vld [tilespmem:s6+$0x4E0]  }
0xb0: {  	v4 =	vmul.f32 $1.428571490e-01, v4;
	[tilespmem:s6+$0x480] =	vst v2;
	v2 =	vld [tilespmem:s6+$0x4F0]  }
0xb1: {  	v5 =	vmul.f32 $1.428571490e-01, v5;
	[tilespmem:s6+$0x490] =	vst v3;
	v3 =	vld [tilespmem:s6+$0x880]  }
0xb2: {  	v6 =	vmul.f32 $1.428571490e-01, v6;
	[tilespmem:s6+$0x4A0] =	vst v4;
	v4 =	vld [tilespmem:s6+$0x890]  }
0xb3: {  	v7 =	vmul.f32 $1.428571490e-01, v7;
	[tilespmem:s6+$0x4B0] =	vst v5;
	v5 =	vld [tilespmem:s6+$0x8A0]  }
0xb4: {  	[tilespmem:s6+$0x4C0] =	vst v6;
	v6 =	vld [tilespmem:s6+$0x8B0];
	v1 =	vmul.f32 $1.428571490e-01, v1  }
0xb5: {  	[tilespmem:s6+$0x4D0] =	vst v7;
	v7 =	vld [tilespmem:s6+$0x8C0]  }
0xb6: {  	v2 =	vmul.f32 $1.428571490e-01, v2;
	[tilespmem:s6+$0x4E0] =	vst v1;
	v1 =	vld [tilespmem:s6+$0x8D0]  }
0xb7: {  	v3 =	vmul.f32 $1.428571490e-01, v3  }
0xb8: {  	[tilespmem:s6+$0x4F0] =	vst v2;
	v2 =	vmul.f32 $1.428571490e-01, v4;
	v4 =	vld [tilespmem:s6+$0x8F0]  }
0xb9: {  	v8 =	vld [tilespmem:s6+$0x8E0];
	[tilespmem:s6+$0x880] =	vst v3;
	v3 =	vmul.f32 $1.428571490e-01, v5  }
0xba: {  	v5 =	vld [tilespmem:s6+$0xC80];
	[tilespmem:s6+$0x890] =	vst v2;
	v2 =	vmul.f32 $1.428571490e-01, v6  }
0xbb: {  	[tilespmem:s6+$0x8A0] =	vst v3;
	v6 =	vld [tilespmem:s6+$0xC90];
	v3 =	vmul.f32 $1.428571490e-01, v7;
	v7 =	vmul.f32 $1.428571490e-01, v1  }
0xbc: {  	[tilespmem:s6+$0x8B0] =	vst v2;
	v2 =	vld [tilespmem:s6+$0xCA0]  }
0xbd: {  	v1 =	vld [tilespmem:s6+$0xCB0];
	[tilespmem:s6+$0x8D0] =	vst v7;
	v7 =	vmul.f32 $1.428571490e-01, v4  }
0xbe: {  	v8 =	vmul.f32 $1.428571490e-01, v8;
	[tilespmem:s6+$0x8C0] =	vst v3;
	v3 =	vld [tilespmem:s6+$0xCC0]  }
0xbf: {  	v4 =	vld [tilespmem:s6+$0xCD0];
	[tilespmem:s6+$0x8F0] =	vst v7;
	v7 =	vmul.f32 $1.428571490e-01, v5  }
0xc0: {  	s21 =	simm.s32 $0x200;
	[tilespmem:s6+$0x8E0] =	vst v8;
	v6 =	vmul.f32 $1.428571490e-01, v6;
	v5 =	vld [tilespmem:s6+$0xCE0]  }
.LBB2_2:
0xc1: {  	s22 =	sshra.s32 s21, $0x2;
	p0 =	sne.s32 s21, $0xC00;
	[tilespmem:s6+$0xC80] =	vst v7;
	v2 =	vmul.f32 $1.428571490e-01, v2;
	v7 =	vld [tilespmem:s6+$0xCF0]  }
0xc2: {  	v8 =	vld [tilespmem:s22+$0x80];
	[tilespmem:s6+$0xC90] =	vst v6;
	v1 =	vmul.f32 $1.428571490e-01, v1  }
0xc3: {  	v6 =	vld [tilespmem:s22+$0x90];
	[tilespmem:s6+$0xCA0] =	vst v2;
	v2 =	vmul.f32 $1.428571490e-01, v3  }
0xc4: {  	v3 =	vld [tilespmem:s22+$0xA0];
	[tilespmem:s6+$0xCB0] =	vst v1;
	v1 =	vmul.f32 $1.428571490e-01, v4  }
0xc5: {  	v4 =	vld [tilespmem:s22+$0xB0];
	[tilespmem:s6+$0xCC0] =	vst v2;
	v2 =	vmul.f32 $1.428571490e-01, v5  }
0xc6: {  	v5 =	vld [tilespmem:s22+$0xC0];
	[tilespmem:s6+$0xCD0] =	vst v1;
	v1 =	vmul.f32 $1.428571490e-01, v7  }
0xc7: {  	v7 =	vmul.f32 $1.428571490e-01, v8;
	v8 =	vld [tilespmem:s22+$0xD0];
	[tilespmem:s6+$0xCE0] =	vst v2  }
0xc8: {  	v2 =	vmul.f32 $1.428571490e-01, v6;
	v6 =	vld [tilespmem:s22+$0xE0];
	[tilespmem:s6+$0xCF0] =	vst v1;
	s6 =	smov.u32 s22  }
0xc9: {  	[tilespmem:s6+$0x80] =	vst v7;
	v1 =	vmul.f32 $1.428571490e-01, v3;
	v3 =	vld [tilespmem:s6+$0xF0]  }
0xca: {  	[tilespmem:s6+$0x90] =	vst v2;
	v2 =	vmul.f32 $1.428571490e-01, v4;
	v4 =	vld [tilespmem:s6+$0x480]  }
0xcb: {  	[tilespmem:s6+$0xA0] =	vst v1;
	v1 =	vmul.f32 $1.428571490e-01, v5;
	v5 =	vld [tilespmem:s6+$0x490]  }
0xcc: {  	[tilespmem:s6+$0xB0] =	vst v2;
	v2 =	vmul.f32 $1.428571490e-01, v8;
	v7 =	vld [tilespmem:s6+$0x4A0]  }
0xcd: {  	[tilespmem:s6+$0xC0] =	vst v1;
	v1 =	vmul.f32 $1.428571490e-01, v6;
	v6 =	vld [tilespmem:s6+$0x4B0]  }
0xce: {  	[tilespmem:s6+$0xD0] =	vst v2;
	v2 =	vmul.f32 $1.428571490e-01, v3;
	v3 =	vld [tilespmem:s6+$0x4C0]  }
0xcf: {  	[tilespmem:s6+$0xE0] =	vst v1;
	v1 =	vmul.f32 $1.428571490e-01, v4;
	v4 =	vld [tilespmem:s6+$0x4D0]  }
0xd0: {  	[tilespmem:s6+$0xF0] =	vst v2;
	v2 =	vmul.f32 $1.428571490e-01, v5;
	v5 =	vld [tilespmem:s6+$0x4E0]  }
0xd1: {  	[tilespmem:s6+$0x480] =	vst v1;
	v1 =	vmul.f32 $1.428571490e-01, v7;
	v7 =	vld [tilespmem:s6+$0x4F0]  }
0xd2: {  	[tilespmem:s6+$0x490] =	vst v2;
	v2 =	vmul.f32 $1.428571490e-01, v6;
	v6 =	vld [tilespmem:s6+$0x880]  }
0xd3: {  	[tilespmem:s6+$0x4A0] =	vst v1;
	v1 =	vmul.f32 $1.428571490e-01, v3;
	v3 =	vld [tilespmem:s6+$0x890]  }
0xd4: {  	[tilespmem:s6+$0x4B0] =	vst v2;
	v2 =	vmul.f32 $1.428571490e-01, v4;
	v4 =	vld [tilespmem:s6+$0x8A0]  }
0xd5: {  	[tilespmem:s6+$0x4C0] =	vst v1;
	v1 =	vmul.f32 $1.428571490e-01, v5;
	v5 =	vld [tilespmem:s6+$0x8B0]  }
0xd6: {  	[tilespmem:s6+$0x4D0] =	vst v2;
	v2 =	vmul.f32 $1.428571490e-01, v7;
	v7 =	vld [tilespmem:s6+$0x8C0]  }
0xd7: {  	[tilespmem:s6+$0x4E0] =	vst v1;
	v1 =	vmul.f32 $1.428571490e-01, v6;
	v6 =	vld [tilespmem:s6+$0x8D0]  }
0xd8: {  	[tilespmem:s6+$0x4F0] =	vst v2;
	v2 =	vmul.f32 $1.428571490e-01, v3;
	v3 =	vld [tilespmem:s6+$0x8E0]  }
0xd9: {  	[tilespmem:s6+$0x880] =	vst v1;
	v1 =	vmul.f32 $1.428571490e-01, v4;
	v4 =	vld [tilespmem:s6+$0x8F0]  }
0xda: {  	[tilespmem:s6+$0x890] =	vst v2;
	v2 =	vmul.f32 $1.428571490e-01, v5;
	v5 =	vld [tilespmem:s6+$0xC80]  }
0xdb: {  	[tilespmem:s6+$0x8A0] =	vst v1;
	v1 =	vmul.f32 $1.428571490e-01, v7;
	v8 =	vld [tilespmem:s6+$0xC90]  }
.Ltmp0:
0xdc: {  	[tilespmem:s6+$0x8B0] =	vst v2;
	v6 =	vmul.f32 $1.428571490e-01, v6;
	v2 =	vld [tilespmem:s6+$0xCA0];
	(pc) =	sbr.rel @p0 .LBB2_2-.Ltmp0, $4  }
0xdd: {  	[tilespmem:s6+$0x8C0] =	vst v1;
	v7 =	vmul.f32 $1.428571490e-01, v3;
	v1 =	vld [tilespmem:s6+$0xCB0]  }
0xde: {  	[tilespmem:s6+$0x8D0] =	vst v6;
	v6 =	vmul.f32 $1.428571490e-01, v4;
	v3 =	vld [tilespmem:s6+$0xCC0]  }
0xdf: {  	[tilespmem:s6+$0x8E0] =	vst v7;
	v7 =	vmul.f32 $1.428571490e-01, v5;
	v4 =	vld [tilespmem:s6+$0xCD0]  }
0xe0: {  	s21 =	sadd.s32 $0x200, s21;
	[tilespmem:s6+$0x8F0] =	vst v6;
	v6 =	vmul.f32 $1.428571490e-01, v8;
	v5 =	vld [tilespmem:s6+$0xCE0]  }
0xe1: {  	[tilespmem:s6+$0xC80] =	vst v7;
	v2 =	vmul.f32 $1.428571490e-01, v2;
	v63 =	vld [tilespmem:s6+$0xCF0]  }
0xe2: {  	[tilespmem:s6+$0xC90] =	vst v6;
	v1 =	vmul.f32 $1.428571490e-01, v1  }
0xe3: {  	[tilespmem:s6+$0xCA0] =	vst v2;
	v2 =	vmul.f32 $1.428571490e-01, v3  }
0xe4: {  	[tilespmem:s6+$0xCB0] =	vst v1;
	v1 =	vmul.f32 $1.428571490e-01, v4  }
0xe5: {  	[tilespmem:s6+$0xCC0] =	vst v2;
	v2 =	vmul.f32 $1.428571490e-01, v5  }
0xe6: {  	[tilespmem:s6+$0xCD0] =	vst v1;
	v1 =	vmul.f32 $1.428571490e-01, v63  }
0xe7: {  	s21 =	simm.s32 $0x0;
	[tilespmem:s6+$0xCE0] =	vst v2  }
0xe8: {  	[tilespmem:s6+$0xCF0] =	vst v1;
	s6 =	sand.u32 $0x10, s21  }
0xe9: {  	v1 =	vld [tilespmem:s6+$0x0]  }
0xea: {  	s21 =	simm.s32 $0x0  }
0xeb: {  	s22 =	sand.u32 $0xC, s21  }
0xec: {  	v2 =	vmov s22  }
0xed: {  	vm0 =	veq.s32 v2, v0  }
0xee: {  	v1 =	vnsel vm0, $0x0, v1  }
0xef: {  	(xrf0) =	vadd.scan.msk.s32 $0xffff, v1;
	_ =	sdelay $0x5  }
0xf0: {  	v1, _, _ =	vpop (xrf0)  }
0xf1: {  	(v2sf) =	vpush v1, $0xF;
	_ =	sdelay $0xd  }
0xf2: {  	s24 =	simm.s32 $0x0  }
0xf3: {  	s23 =	rddreg [dreg:$0x4];
	s22 =	sand.u32 $0x600, s24;
	s24 =	spop (v2sf)  }
0xf4: {  	s25 =	simm.s32 $0x0;
	s26 =	sshll.u32 s24, $0x9;
	s24 =	sshll.u32 s24, $0x7  }
0xf5: {  	s25 =	sand.u32 $0x40, s25;
	s26 =	sand.u32 $0xFFFFF000, s26;
	s24 =	sand.u32 $0x380, s24  }
0xf6: {  	s25 =	sadd.s32 s2, s25;
	s22 =	sor.u32 s23, s22;
	s24 =	sor.u32 s24, s26  }
0xf7: {  	s23 =	sadd.s32 s22, s25;
	s29 =	sadd.s32 $0x80, s24  }
0xf8: {  	[hbm4b:s23+s3] =	stream.linear.scatter [tilespmem:s29], [sflag:$0x2], $0x80, $0x38;
	[tilespmem:$0x1080] =	vst v63  }
0xf9: {  	s31 =	sadd.s32 $0x80, s23;
	s30 =	sadd.s32 $0x480, s24  }
0xfa: {  	[hbm4b:s31+s3] =	stream.linear.scatter [tilespmem:s30], [sflag:$0x2], $0x80, $0x38;
	[tilespmem:$0x1080] =	vst v63  }
0xfb: {  	s8 =	sadd.s32 $0x100, s23;
	s1 =	sadd.s32 $0x880, s24  }
0xfc: {  	[hbm4b:s8+s3] =	stream.linear.scatter [tilespmem:s1], [sflag:$0x2], $0x80, $0x38;
	[tilespmem:$0x1080] =	vst v63  }
0xfd: {  	s24 =	sadd.s32 $0xC80, s24;
	s23 =	sadd.s32 $0x180, s23  }
0xfe: {  	[hbm4b:s23+s3] =	stream.linear.scatter [tilespmem:s24], [sflag:$0x2], $0x80, $0x38;
	[tilespmem:$0x1080] =	vst v63  }
0xff: {  	v1 =	vld [tilespmem:s6+$0x0]  }
0x100: {  	s24 =	simm.s32 $0x1  }
0x101: {  	s23 =	sand.u32 $0xD, s24  }
0x102: {  	v2 =	vmov s23  }
0x103: {  	vm13 =	veq.s32 v2, v0  }
0x104: {  	v1 =	vnsel vm13, $0x0, v1  }
0x105: {  	(xrf0) =	vadd.scan.msk.s32 $0xffff, v1;
	_ =	sdelay $0x5  }
0x106: {  	v1, _, _ =	vpop (xrf0)  }
0x107: {  	(v2sf) =	vpush v1, $0xF;
	_ =	sdelay $0xe  }
0x108: {  	s25 =	spop (v2sf)  }
0x109: {  	s26 =	simm.s32 $0x10;
	s29 =	sshll.u32 s25, $0x9;
	s23 =	sshll.u32 s25, $0x7  }
0x10a: {  	s24 =	sand.u32 $0x50, s26;
	s25 =	sand.u32 $0xFFFFF000, s29;
	s23 =	sand.u32 $0x380, s23  }
0x10b: {  	s24 =	sadd.s32 s2, s24;
	s23 =	sor.u32 s23, s25  }
0x10c: {  	s24 =	sadd.s32 s22, s24;
	s25 =	sadd.s32 $0x80, s23  }
0x10d: {  	[hbm4b:s24+s3] =	stream.linear.scatter [tilespmem:s25], [sflag:$0x2], $0x80, $0x38;
	[tilespmem:$0x1080] =	vst v63  }
0x10e: {  	s31 =	sadd.s32 $0x80, s24;
	s30 =	sadd.s32 $0x480, s23  }
0x10f: {  	[hbm4b:s31+s3] =	stream.linear.scatter [tilespmem:s30], [sflag:$0x2], $0x80, $0x38;
	[tilespmem:$0x1080] =	vst v63  }
0x110: {  	s8 =	sadd.s32 $0x100, s24;
	s1 =	sadd.s32 $0x880, s23  }
0x111: {  	[hbm4b:s8+s3] =	stream.linear.scatter [tilespmem:s1], [sflag:$0x2], $0x80, $0x38;
	[tilespmem:$0x1080] =	vst v63  }
0x112: {  	s23 =	sadd.s32 $0xC80, s23;
	s24 =	sadd.s32 $0x180, s24  }
0x113: {  	[hbm4b:s24+s3] =	stream.linear.scatter [tilespmem:s23], [sflag:$0x2], $0x80, $0x38;
	[tilespmem:$0x1080] =	vst v63  }
0x114: {  	v1 =	vld [tilespmem:s6+$0x0]  }
0x115: {  	s24 =	simm.s32 $0x2  }
0x116: {  	s23 =	sand.u32 $0xE, s24  }
0x117: {  	v2 =	vmov s23  }
0x118: {  	vm14 =	veq.s32 v2, v0  }
0x119: {  	v1 =	vnsel vm14, $0x0, v1  }
0x11a: {  	(xrf0) =	vadd.scan.msk.s32 $0xffff, v1;
	_ =	sdelay $0x5  }
0x11b: {  	v1, _, _ =	vpop (xrf0)  }
0x11c: {  	(v2sf) =	vpush v1, $0xF;
	_ =	sdelay $0xe  }
0x11d: {  	s25 =	spop (v2sf)  }
0x11e: {  	s26 =	simm.s32 $0x20;
	s29 =	sshll.u32 s25, $0x9;
	s23 =	sshll.u32 s25, $0x7  }
0x11f: {  	s24 =	sand.u32 $0x60, s26;
	s25 =	sand.u32 $0xFFFFF000, s29;
	s23 =	sand.u32 $0x380, s23  }
0x120: {  	s24 =	sadd.s32 s2, s24;
	s23 =	sor.u32 s23, s25  }
0x121: {  	s24 =	sadd.s32 s22, s24;
	s25 =	sadd.s32 $0x80, s23  }
0x122: {  	[hbm4b:s24+s3] =	stream.linear.scatter [tilespmem:s25], [sflag:$0x2], $0x80, $0x38;
	[tilespmem:$0x1080] =	vst v63  }
0x123: {  	s31 =	sadd.s32 $0x80, s24;
	s30 =	sadd.s32 $0x480, s23  }
0x124: {  	[hbm4b:s31+s3] =	stream.linear.scatter [tilespmem:s30], [sflag:$0x2], $0x80, $0x38;
	[tilespmem:$0x1080] =	vst v63  }
0x125: {  	s8 =	sadd.s32 $0x100, s24;
	s1 =	sadd.s32 $0x880, s23  }
0x126: {  	[hbm4b:s8+s3] =	stream.linear.scatter [tilespmem:s1], [sflag:$0x2], $0x80, $0x38;
	[tilespmem:$0x1080] =	vst v63  }
0x127: {  	s23 =	sadd.s32 $0xC80, s23;
	s24 =	sadd.s32 $0x180, s24  }
0x128: {  	[hbm4b:s24+s3] =	stream.linear.scatter [tilespmem:s23], [sflag:$0x2], $0x80, $0x38;
	[tilespmem:$0x1080] =	vst v63  }
0x129: {  	v1 =	vld [tilespmem:s6+$0x0]  }
0x12a: {  	s29 =	simm.s32 $0x3  }
0x12b: {  	s6 =	sand.u32 $0xF, s29  }
0x12c: {  	v2 =	vmov s6  }
0x12d: {  	vm15 =	veq.s32 v2, v0  }
0x12e: {  	v1 =	vnsel vm15, $0x0, v1  }
0x12f: {  	(xrf0) =	vadd.scan.msk.s32 $0xffff, v1;
	_ =	sdelay $0x5  }
0x130: {  	v1, _, _ =	vpop (xrf0)  }
0x131: {  	(v2sf) =	vpush v1, $0xF;
	_ =	sdelay $0xe  }
0x132: {  	s31 =	simm.s32 $0x30;
	s30 =	spop (v2sf)  }
0x133: {  	s23 =	sand.u32 $0x70, s31;
	s1 =	sshll.u32 s30, $0x9;
	s6 =	sshll.u32 s30, $0x7  }
0x134: {  	s23 =	sadd.s32 s2, s23;
	s24 =	sand.u32 $0xFFFFF000, s1;
	s6 =	sand.u32 $0x380, s6  }
0x135: {  	s25 =	simm.s32 $0x20;
	s28 =	sadd.s32 s22, s23;
	s8 =	sor.u32 s6, s24  }
0x136: {  	s22 =	sadd.s32 $0x80, s28;
	s23 =	sadd.s32 $0x100, s28;
	s6 =	sadd.s32 $0x80, s8  }
0x137: {  	[hbm4b:s28+s3] =	stream.linear.scatter [tilespmem:s6], [sflag:$0x2], $0x80, $0x38;
	[tilespmem:$0x1080] =	vst v63  }
0x138: {  	s24 =	simm.s32 $0x4;
	s29 =	sadd.s32 $0x480, s8;
	s30 =	sadd.s32 $0x880, s8  }
0x139: {  	[hbm4b:s22+s3] =	stream.linear.scatter [tilespmem:s29], [sflag:$0x2], $0x80, $0x38;
	[tilespmem:$0x1080] =	vst v63  }
0x13a: {  	s31 =	sand.u32 $0xC, s24;
	s26 =	sadd.s32 $0xC80, s8;
	s6 =	simm.s32 $0x4  }
0x13b: {  	[hbm4b:s23+s3] =	stream.linear.scatter [tilespmem:s30], [sflag:$0x2], $0x80, $0x38;
	[tilespmem:$0x1080] =	vst v63  }
0x13c: {  	v1 =	vmov s31;
	s28 =	sadd.s32 $0x180, s28;
	s22 =	simm.s32 $0x70;
	s23 =	simm.s32 $0x100  }
.LBB2_4:
0x13d: {  	[hbm4b:s28+s3] =	stream.linear.scatter [tilespmem:s26], [sflag:$0x2], $0x80, $0x38;
	[tilespmem:$0x1080] =	vst v63  }
0x13e: {  	s28 =	sand.u32 $0x10, s6  }
0x13f: {  	v2 =	vld [tilespmem:s28+$0x0];
	_ =	sdelay $0x3  }
0x140: {  	vm0 =	veq.s32 v1, v0  }
0x141: {  	v2 =	vnsel vm0, $0x0, v2  }
0x142: {  	(xrf0) =	vadd.scan.msk.s32 $0xffff, v2;
	_ =	sdelay $0x5  }
0x143: {  	v2, _, _ =	vpop (xrf0)  }
0x144: {  	(v2sf) =	vpush v2, $0xF;
	_ =	sdelay $0xd  }
0x145: {  	s26 =	smov.u32 s24;
	s24 =	sadd.s32 $0x4, s24;
	s30 =	rddreg [dreg:$0x4]  }
0x146: {  	s1 =	sadd.s32 $0xFFFFFFD0, s22;
	s29 =	sand.u32 $0xC, s24;
	s31 =	spop (v2sf)  }
0x147: {  	s1 =	sand.u32 $0x40, s1;
	s8 =	sshll.u32 s31, $0x9;
	s31 =	sshll.u32 s31, $0x7  }
0x148: {  	v3 =	vmov s29;
	s29 =	sand.u32 $0x600, s23;
	s8 =	sand.u32 $0xFFFFF000, s8;
	s31 =	sand.u32 $0x380, s31  }
0x149: {  	s1 =	sadd.s32 s2, s1;
	s29 =	sor.u32 s30, s29;
	s8 =	sor.u32 s31, s8  }
0x14a: {  	s1 =	sadd.s32 s29, s1;
	s31 =	sadd.s32 $0x80, s8  }
0x14b: {  	[hbm4b:s1+s3] =	stream.linear.scatter [tilespmem:s31], [sflag:$0x2], $0x80, $0x38;
	[tilespmem:$0x1080] =	vst v63  }
0x14c: {  	s30 =	sadd.s32 $0x480, s8;
	s31 =	sadd.s32 $0x80, s1  }
0x14d: {  	[hbm4b:s31+s3] =	stream.linear.scatter [tilespmem:s30], [sflag:$0x2], $0x80, $0x38;
	[tilespmem:$0x1080] =	vst v63  }
0x14e: {  	s30 =	sadd.s32 $0x880, s8;
	s31 =	sadd.s32 $0x100, s1  }
0x14f: {  	[hbm4b:s31+s3] =	stream.linear.scatter [tilespmem:s30], [sflag:$0x2], $0x80, $0x38;
	[tilespmem:$0x1080] =	vst v63  }
0x150: {  	s8 =	sadd.s32 $0xC80, s8;
	s1 =	sadd.s32 $0x180, s1  }
0x151: {  	[hbm4b:s1+s3] =	stream.linear.scatter [tilespmem:s8], [sflag:$0x2], $0x80, $0x38;
	[tilespmem:$0x1080] =	vst v63  }
0x152: {  	v2 =	vld [tilespmem:s28+$0x0]  }
0x153: {  	s30 =	sadd.s32 $0x5, s21  }
0x154: {  	s1 =	sand.u32 $0xD, s30  }
0x155: {  	v1 =	vmov v3;
	v3 =	vmov s1  }
0x156: {  	vm13 =	veq.s32 v3, v0  }
0x157: {  	v2 =	vnsel vm13, $0x0, v2  }
0x158: {  	(xrf0) =	vadd.scan.msk.s32 $0xffff, v2;
	_ =	sdelay $0x5  }
0x159: {  	v2, _, _ =	vpop (xrf0)  }
0x15a: {  	(v2sf) =	vpush v2, $0xF;
	_ =	sdelay $0xe  }
0x15b: {  	s1 =	spop (v2sf)  }
0x15c: {  	s8 =	sadd.s32 $0xFFFFFFE0, s22;
	s31 =	sshll.u32 s1, $0x9;
	s1 =	sshll.u32 s1, $0x7  }
0x15d: {  	s8 =	sand.u32 $0x50, s8;
	s30 =	sand.u32 $0xFFFFF000, s31;
	s1 =	sand.u32 $0x380, s1  }
0x15e: {  	s8 =	sadd.s32 s2, s8;
	s1 =	sor.u32 s1, s30  }
0x15f: {  	s8 =	sadd.s32 s29, s8;
	s30 =	sadd.s32 $0x80, s1  }
0x160: {  	[hbm4b:s8+s3] =	stream.linear.scatter [tilespmem:s30], [sflag:$0x2], $0x80, $0x38;
	[tilespmem:$0x1080] =	vst v63  }
0x161: {  	s31 =	sadd.s32 $0x80, s8;
	s30 =	sadd.s32 $0x480, s1  }
0x162: {  	[hbm4b:s31+s3] =	stream.linear.scatter [tilespmem:s30], [sflag:$0x2], $0x80, $0x38;
	[tilespmem:$0x1080] =	vst v63  }
0x163: {  	s30 =	sadd.s32 $0x880, s1;
	s31 =	sadd.s32 $0x100, s8  }
0x164: {  	[hbm4b:s31+s3] =	stream.linear.scatter [tilespmem:s30], [sflag:$0x2], $0x80, $0x38;
	[tilespmem:$0x1080] =	vst v63  }
0x165: {  	s1 =	sadd.s32 $0xC80, s1;
	s8 =	sadd.s32 $0x180, s8  }
0x166: {  	[hbm4b:s8+s3] =	stream.linear.scatter [tilespmem:s1], [sflag:$0x2], $0x80, $0x38;
	[tilespmem:$0x1080] =	vst v63  }
0x167: {  	v2 =	vld [tilespmem:s28+$0x0]  }
0x168: {  	s30 =	sadd.s32 $0x6, s21  }
0x169: {  	s1 =	sand.u32 $0xE, s30  }
0x16a: {  	v3 =	vmov s1  }
0x16b: {  	vm14 =	veq.s32 v3, v0  }
0x16c: {  	v2 =	vnsel vm14, $0x0, v2  }
0x16d: {  	(xrf0) =	vadd.scan.msk.s32 $0xffff, v2;
	_ =	sdelay $0x5  }
0x16e: {  	v2, _, _ =	vpop (xrf0)  }
0x16f: {  	(v2sf) =	vpush v2, $0xF;
	_ =	sdelay $0xe  }
0x170: {  	s1 =	spop (v2sf)  }
0x171: {  	s8 =	sadd.s32 $0xFFFFFFF0, s22;
	s31 =	sshll.u32 s1, $0x9;
	s1 =	sshll.u32 s1, $0x7  }
0x172: {  	s8 =	sand.u32 $0x60, s8;
	s30 =	sand.u32 $0xFFFFF000, s31;
	s1 =	sand.u32 $0x380, s1  }
0x173: {  	s8 =	sadd.s32 s2, s8;
	s1 =	sor.u32 s1, s30  }
0x174: {  	s8 =	sadd.s32 s29, s8;
	s30 =	sadd.s32 $0x80, s1  }
0x175: {  	[hbm4b:s8+s3] =	stream.linear.scatter [tilespmem:s30], [sflag:$0x2], $0x80, $0x38;
	[tilespmem:$0x1080] =	vst v63  }
0x176: {  	s31 =	sadd.s32 $0x80, s8;
	s30 =	sadd.s32 $0x480, s1  }
0x177: {  	[hbm4b:s31+s3] =	stream.linear.scatter [tilespmem:s30], [sflag:$0x2], $0x80, $0x38;
	[tilespmem:$0x1080] =	vst v63  }
0x178: {  	s30 =	sadd.s32 $0x880, s1;
	s31 =	sadd.s32 $0x100, s8  }
0x179: {  	[hbm4b:s31+s3] =	stream.linear.scatter [tilespmem:s30], [sflag:$0x2], $0x80, $0x38;
	[tilespmem:$0x1080] =	vst v63  }
0x17a: {  	s1 =	sadd.s32 $0xC80, s1;
	s8 =	sadd.s32 $0x180, s8  }
0x17b: {  	[hbm4b:s8+s3] =	stream.linear.scatter [tilespmem:s1], [sflag:$0x2], $0x80, $0x38;
	[tilespmem:$0x1080] =	vst v63  }
0x17c: {  	v2 =	vld [tilespmem:s28+$0x0]  }
0x17d: {  	s8 =	sadd.s32 $0x7, s21  }
0x17e: {  	s1 =	sand.u32 $0xF, s8  }
0x17f: {  	v3 =	vmov s1  }
0x180: {  	vm15 =	veq.s32 v3, v0  }
0x181: {  	v2 =	vnsel vm15, $0x0, v2  }
0x182: {  	(xrf0) =	vadd.scan.msk.s32 $0xffff, v2;
	_ =	sdelay $0x5  }
0x183: {  	v2, _, _ =	vpop (xrf0)  }
0x184: {  	(v2sf) =	vpush v2, $0xF;
	_ =	sdelay $0xe  }
0x185: {  	s21 =	smov.u32 s26;
	s26 =	spop (v2sf)  }
0x186: {  	s6 =	sshrl.u32 s25, $0x2;
	s30 =	sshll.u32 s26, $0x9;
	s1 =	sshll.u32 s26, $0x7  }
0x187: {  	s31 =	sand.u32 $0x70, s22;
	s8 =	sand.u32 $0xFFFFF000, s30;
	s1 =	sand.u32 $0x380, s1  }
0x188: {  	s25 =	sadd.s32 $0x10, s25;
	s26 =	sadd.s32 s2, s31;
	s1 =	sor.u32 s1, s8  }
0x189: {  	p0 =	slt.u32 s24, $0x1C;
	s8 =	sadd.s32 s29, s26;
	s29 =	sadd.s32 $0x80, s1  }
0x18a: {  	[hbm4b:s8+s3] =	stream.linear.scatter [tilespmem:s29], [sflag:$0x2], $0x80, $0x38;
	[tilespmem:$0x1080] =	vst v63  }
.Ltmp1:
0x18b: {  	s30 =	sadd.s32 $0x480, s1;
	s28 =	sadd.s32 $0x80, s8;
	(pc) =	sbr.rel @p0 .LBB2_4-.Ltmp1, $4  }
0x18c: {  	[hbm4b:s28+s3] =	stream.linear.scatter [tilespmem:s30], [sflag:$0x2], $0x80, $0x38;
	[tilespmem:$0x1080] =	vst v63  }
0x18d: {  	s23 =	sadd.s32 $0x100, s23;
	s31 =	sadd.s32 $0x880, s1;
	s28 =	sadd.s32 $0x100, s8  }
0x18e: {  	[hbm4b:s28+s3] =	stream.linear.scatter [tilespmem:s31], [sflag:$0x2], $0x80, $0x38;
	[tilespmem:$0x1080] =	vst v63  }
0x18f: {  	s22 =	sadd.s32 $0x40, s22;
	s26 =	sadd.s32 $0xC80, s1;
	s28 =	sadd.s32 $0x180, s8  }
0x190: {  	[hbm4b:s28+s3] =	stream.linear.scatter [tilespmem:s26], [sflag:$0x2], $0x80, $0x38;
	[tilespmem:$0x1080] =	vst v63  }
0x191: {  	s24 =	sand.u32 $0x10, s6  }
0x192: {  	v2 =	vld [tilespmem:s24+$0x0];
	_ =	sdelay $0x3  }
0x193: {  	vm0 =	veq.s32 v1, v0  }
0x194: {  	v1 =	vnsel vm0, $0x0, v2  }
0x195: {  	(xrf0) =	vadd.scan.msk.s32 $0xffff, v1;
	_ =	sdelay $0x5  }
0x196: {  	v1, _, _ =	vpop (xrf0)  }
0x197: {  	(v2sf) =	vpush v1, $0xF;
	_ =	sdelay $0xe  }
0x198: {  	s1 =	sand.u32 $0x600, s23;
	s30 =	rddreg [dreg:$0x4];
	s8 =	spop (v2sf)  }
0x199: {  	s31 =	sadd.s32 $0xFFFFFFD0, s22;
	s25 =	sshll.u32 s8, $0x9;
	s8 =	sshll.u32 s8, $0x7  }
0x19a: {  	s23 =	sand.u32 $0x40, s31;
	s25 =	sand.u32 $0xFFFFF000, s25;
	s8 =	sand.u32 $0x380, s8  }
0x19b: {  	s6 =	sor.u32 s30, s1;
	s23 =	sadd.s32 s2, s23;
	s8 =	sor.u32 s8, s25  }
0x19c: {  	s1 =	sadd.s32 s6, s23;
	s26 =	sadd.s32 $0x80, s8  }
0x19d: {  	[hbm4b:s1+s3] =	stream.linear.scatter [tilespmem:s26], [sflag:$0x2], $0x80, $0x38;
	[tilespmem:$0x1080] =	vst v63  }
0x19e: {  	s29 =	sadd.s32 $0x80, s1;
	s28 =	sadd.s32 $0x480, s8  }
0x19f: {  	[hbm4b:s29+s3] =	stream.linear.scatter [tilespmem:s28], [sflag:$0x2], $0x80, $0x38;
	[tilespmem:$0x1080] =	vst v63  }
0x1a0: {  	s31 =	sadd.s32 $0x100, s1;
	s30 =	sadd.s32 $0x880, s8  }
0x1a1: {  	[hbm4b:s31+s3] =	stream.linear.scatter [tilespmem:s30], [sflag:$0x2], $0x80, $0x38;
	[tilespmem:$0x1080] =	vst v63  }
0x1a2: {  	s8 =	sadd.s32 $0xC80, s8;
	s1 =	sadd.s32 $0x180, s1  }
0x1a3: {  	[hbm4b:s1+s3] =	stream.linear.scatter [tilespmem:s8], [sflag:$0x2], $0x80, $0x38;
	[tilespmem:$0x1080] =	vst v63  }
0x1a4: {  	v1 =	vld [tilespmem:s24+$0x0]  }
0x1a5: {  	s8 =	sadd.s32 $0x5, s21  }
0x1a6: {  	s1 =	sand.u32 $0xD, s8  }
0x1a7: {  	v2 =	vmov s1  }
0x1a8: {  	vm13 =	veq.s32 v2, v0  }
0x1a9: {  	v1 =	vnsel vm13, $0x0, v1  }
0x1aa: {  	(xrf0) =	vadd.scan.msk.s32 $0xffff, v1;
	_ =	sdelay $0x5  }
0x1ab: {  	v1, _, _ =	vpop (xrf0)  }
0x1ac: {  	(v2sf) =	vpush v1, $0xF;
	_ =	sdelay $0xe  }
0x1ad: {  	s23 =	spop (v2sf)  }
0x1ae: {  	s25 =	sadd.s32 $0xFFFFFFE0, s22;
	s26 =	sshll.u32 s23, $0x9;
	s1 =	sshll.u32 s23, $0x7  }
0x1af: {  	s8 =	sand.u32 $0x50, s25;
	s23 =	sand.u32 $0xFFFFF000, s26;
	s1 =	sand.u32 $0x380, s1  }
0x1b0: {  	s8 =	sadd.s32 s2, s8;
	s1 =	sor.u32 s1, s23  }
0x1b1: {  	s8 =	sadd.s32 s6, s8;
	s23 =	sadd.s32 $0x80, s1  }
0x1b2: {  	[hbm4b:s8+s3] =	stream.linear.scatter [tilespmem:s23], [sflag:$0x2], $0x80, $0x38;
	[tilespmem:$0x1080] =	vst v63  }
0x1b3: {  	s29 =	sadd.s32 $0x80, s8;
	s28 =	sadd.s32 $0x480, s1  }
0x1b4: {  	[hbm4b:s29+s3] =	stream.linear.scatter [tilespmem:s28], [sflag:$0x2], $0x80, $0x38;
	[tilespmem:$0x1080] =	vst v63  }
0x1b5: {  	s31 =	sadd.s32 $0x100, s8;
	s30 =	sadd.s32 $0x880, s1  }
0x1b6: {  	[hbm4b:s31+s3] =	stream.linear.scatter [tilespmem:s30], [sflag:$0x2], $0x80, $0x38;
	[tilespmem:$0x1080] =	vst v63  }
0x1b7: {  	s1 =	sadd.s32 $0xC80, s1;
	s8 =	sadd.s32 $0x180, s8  }
0x1b8: {  	[hbm4b:s8+s3] =	stream.linear.scatter [tilespmem:s1], [sflag:$0x2], $0x80, $0x38;
	[tilespmem:$0x1080] =	vst v63  }
0x1b9: {  	v1 =	vld [tilespmem:s24+$0x0]  }
0x1ba: {  	s8 =	sadd.s32 $0x6, s21  }
0x1bb: {  	s1 =	sand.u32 $0xE, s8  }
0x1bc: {  	v2 =	vmov s1  }
0x1bd: {  	vm14 =	veq.s32 v2, v0  }
0x1be: {  	v1 =	vnsel vm14, $0x0, v1  }
0x1bf: {  	(xrf0) =	vadd.scan.msk.s32 $0xffff, v1;
	_ =	sdelay $0x5  }
0x1c0: {  	v1, _, _ =	vpop (xrf0)  }
0x1c1: {  	(v2sf) =	vpush v1, $0xF;
	_ =	sdelay $0xe  }
0x1c2: {  	s23 =	spop (v2sf)  }
0x1c3: {  	s25 =	sadd.s32 $0xFFFFFFF0, s22;
	s26 =	sshll.u32 s23, $0x9;
	s1 =	sshll.u32 s23, $0x7  }
0x1c4: {  	s8 =	sand.u32 $0x60, s25;
	s23 =	sand.u32 $0xFFFFF000, s26;
	s1 =	sand.u32 $0x380, s1  }
0x1c5: {  	s8 =	sadd.s32 s2, s8;
	s1 =	sor.u32 s1, s23  }
0x1c6: {  	s8 =	sadd.s32 s6, s8;
	s23 =	sadd.s32 $0x80, s1  }
0x1c7: {  	[hbm4b:s8+s3] =	stream.linear.scatter [tilespmem:s23], [sflag:$0x2], $0x80, $0x38;
	[tilespmem:$0x1080] =	vst v63  }
0x1c8: {  	s29 =	sadd.s32 $0x80, s8;
	s28 =	sadd.s32 $0x480, s1  }
0x1c9: {  	[hbm4b:s29+s3] =	stream.linear.scatter [tilespmem:s28], [sflag:$0x2], $0x80, $0x38;
	[tilespmem:$0x1080] =	vst v63  }
0x1ca: {  	s31 =	sadd.s32 $0x100, s8;
	s30 =	sadd.s32 $0x880, s1  }
0x1cb: {  	[hbm4b:s31+s3] =	stream.linear.scatter [tilespmem:s30], [sflag:$0x2], $0x80, $0x38;
	[tilespmem:$0x1080] =	vst v63  }
0x1cc: {  	s1 =	sadd.s32 $0xC80, s1;
	s8 =	sadd.s32 $0x180, s8  }
0x1cd: {  	[hbm4b:s8+s3] =	stream.linear.scatter [tilespmem:s1], [sflag:$0x2], $0x80, $0x38;
	[tilespmem:$0x1080] =	vst v63  }
0x1ce: {  	v1 =	vld [tilespmem:s24+$0x0]  }
0x1cf: {  	s23 =	sadd.s32 $0x7, s21  }
0x1d0: {  	s1 =	sand.u32 $0xF, s23  }
0x1d1: {  	v2 =	vmov s1  }
0x1d2: {  	vm15 =	veq.s32 v2, v0  }
0x1d3: {  	v1 =	vnsel vm15, $0x0, v1  }
0x1d4: {  	(xrf0) =	vadd.scan.msk.s32 $0xffff, v1;
	_ =	sdelay $0x5  }
0x1d5: {  	v1, _, _ =	vpop (xrf0)  }
0x1d6: {  	(v2sf) =	vpush v1, $0xF;
	_ =	sdelay $0xe  }
0x1d7: {  	s24 =	spop (v2sf)  }
0x1d8: {  	s25 =	sshll.u32 s24, $0x9;
	s1 =	sshll.u32 s24, $0x7  }
0x1d9: {  	s26 =	sand.u32 $0x70, s22;
	s8 =	sand.u32 $0xFFFFF000, s25;
	s1 =	sand.u32 $0x380, s1  }
0x1da: {  	s21 =	sadd.s32 s2, s26;
	s1 =	sor.u32 s1, s8  }
0x1db: {  	s6 =	sadd.s32 s6, s21;
	s8 =	sadd.s32 $0x80, s1  }
0x1dc: {  	[hbm4b:s6+s3] =	stream.linear.scatter [tilespmem:s8], [sflag:$0x2], $0x80, $0x38;
	[tilespmem:$0x1080] =	vst v63  }
0x1dd: {  	s21 =	sadd.s32 $0x80, s6;
	s28 =	sadd.s32 $0x480, s1  }
0x1de: {  	[hbm4b:s21+s3] =	stream.linear.scatter [tilespmem:s28], [sflag:$0x2], $0x80, $0x38;
	[tilespmem:$0x1080] =	vst v63  }
0x1df: {  	s30 =	sadd.s32 $0x100, s6;
	s29 =	sadd.s32 $0x880, s1  }
0x1e0: {  	[hbm4b:s30+s3] =	stream.linear.scatter [tilespmem:s29], [sflag:$0x2], $0x80, $0x38;
	[tilespmem:$0x1080] =	vst v63  }
0x1e1: {  	s1 =	sadd.s32 $0xC80, s1;
	s6 =	sadd.s32 $0x180, s6  }
0x1e2: {  	[hbm4b:s6+s3] =	stream.linear.scatter [tilespmem:s1], [sflag:$0x2], $0x80, $0x38;
	[tilespmem:$0x1080] =	vst v63  }
0x1e3: {  	_ =	swait.ge [sflag:s19], $0x800  }
0x1e4: {  	s20 =	sadd.s32 $0x1, s20;
	s31 =	rddreg [dreg:$0x9]  }
0x1e5: {  	p0 =	sne.s32 s20, s31  }
.Ltmp2:
0x1e6: {  	_ = 	snop;
	(pc) =	sbr.rel @p0 .LBB2_1-.Ltmp2, $3  }
0x1e7: {  	_ =	sdelay $0x1  }
0x1e8: {  	[sflag:s19] =	ssyncset.done $0x0  }
0x1e9: {  	[sflag:s19] =	ssyncadd.s32 $0xFFFFF800  }
0x1ea: {  	_ =	sfence.sel $0x180000  }
0x1eb: {  	[bflag:$0x0] =	sbarrier.arrive $0xFFFF  }
0x1ec: {  	_ =	strace $0x90000047  }
0x1ed: {  	s0 =	stileid.u32;
	[bflag:$0x2] =	sbarrier.arrive $0xFFFF  }
0x1ee: {  	p0 =	sne.s32 s0, $0x0;
	s0 =	rddreg [dreg:$0x3]  }
0x1ef: {  	s0 =	sadd.s32 @!p0 $0x100000, s0  }
0x1f0: {  	[sflag:s0] =	ssyncadd.tile.s32 @!p0 $0x1;
	_ =	shalt  }
.Lfunc_end2:
_tile_overlayer_lowered:
.L_overlay_start_2:
0x1f1: {  	(tag) =	ssettag $0x2  }
0x1f2: {  	s0 =	rddreg [dreg:$0x0];
	s2 =	stileid.u32  }
0x1f3: {  	s1 =	rddreg [dreg:$0x1];
	p0 =	sne.s32 s2, $0x0  }
0x1f4: {  	s3 =	rddreg [dreg:$0x2];
	[bflag:$0x3] =	sbarrier.arrive $0xFFFF;
	s2 =	simm.s32 @!p0 $0x1C03  }
0x1f5: {  	[timem:s3], [sflag:s2] =	dma.local @!p0 [hbm:s0], s1  }
0x1f6: {  	s0 =	simm.s32 @!p0 $0x3  }
0x1f7: {  	_ =	swait.ge @!p0 [sflag:s0], s1  }
0x1f8: {  	s1 =	ssub.s32 @!p0 $0x0, s1;
	[sflag:s0] =	ssyncset.done @!p0 $0x0  }
0x1f9: {  	[sflag:s0] =	ssyncadd.s32 @!p0 s1  }
0x1fa: {  	[bflag:$0x3] =	sbarrier.arrive $0xFFFF  }
0x1fb: {  	_ =	shalt  }

</sc_bundles>
